<compile_context>
chip_gen: v7x
topology: tpu7x:2x2x1
jax: 0.10.2.dev20260603
libtpu: 0.0.44.dev20260713+nightly
codegen_flags: <defaults>
</compile_context>

<pallas_src>
import functools

import jax
import jax.numpy as jnp
from jax import lax
from jax.experimental import pallas as pl
from jax.experimental.pallas import tpu as pltpu
from jax.experimental.pallas import tpu_sc as plsc

N_EDGES = 320000
D_FEAT = 128
N_SEGMENTS = 10000

_NC = 2
_NS = 16
_NW = _NC * _NS
_E_PER_TILE = N_EDGES // _NW
_SCH = 40
_NSUB = 4
_CH = _SCH * _NSUB
_NSC = _E_PER_TILE // _SCH
_NSTEP = _E_PER_TILE // _CH
_NHALF = _NSTEP // 2
_NTAIL = _NSC - _NSTEP * _NSUB

_ROWS_PER_SUB = 624
_ROWS_LAST = N_SEGMENTS - 15 * _ROWS_PER_SUB
_NZ = _ROWS_PER_SUB // _CH
_ZTAIL = _ROWS_PER_SUB - _NZ * _CH


def _sc_body(data_hbm, seg_hbm, out_hbm,
             dbufs, ibuf, acc, sld, ssc):
    c = lax.axis_index("c")
    s = lax.axis_index("s")
    wid = c * _NS + s
    base = wid * _E_PER_TILE

    zb = dbufs[0]

    def zrow(r, carry):
        def zcol(j, carry2):
            zb[r, pl.ds(j * 16, 16)] = jnp.zeros((16,), jnp.float32)
            return carry2
        return lax.fori_loop(0, D_FEAT // 16, zcol, carry)
    lax.fori_loop(0, _CH, zrow, 0)

    def zcopy(k, carry):
        pltpu.sync_copy(zb, acc.at[pl.ds(s * _ROWS_PER_SUB + k * _CH,
                                         _CH), :])
        return carry
    lax.fori_loop(0, _NZ, zcopy, 0)

    pltpu.sync_copy(zb.at[pl.ds(0, _ZTAIL), :],
                    acc.at[pl.ds(s * _ROWS_PER_SUB + _NZ * _CH,
                                 _ZTAIL), :])

    @pl.when(s == _NS - 1)
    def _():
        pltpu.sync_copy(zb.at[pl.ds(0, _ROWS_LAST - _ROWS_PER_SUB), :],
                        acc.at[pl.ds(15 * _ROWS_PER_SUB + _ROWS_PER_SUB,
                                     _ROWS_LAST - _ROWS_PER_SUB), :])
    plsc.subcore_barrier()

    pltpu.sync_copy(seg_hbm.at[pl.ds(base, _E_PER_TILE)], ibuf)

    def start_load(j, chunk):
        row = base + chunk * _CH
        pltpu.make_async_copy(data_hbm.at[pl.ds(row, _CH), :],
                              dbufs[j], sld[j]).start()

    def wait_load(j):
        pltpu.make_async_copy(data_hbm.at[pl.ds(base, _CH), :],
                              dbufs[j], sld[j]).wait()

    def scatter_chunk(j, t, nsub=_NSUB):
        scats = [pltpu.async_copy(
            dbufs[j].at[pl.ds(_SCH * q, _SCH), :],
            acc.at[ibuf.at[pl.ds((_NSUB * t + q) * _SCH, _SCH)]], ssc,
            add=True) for q in range(nsub)]
        for h in scats:
            h.wait()

    start_load(0, 0)
    start_load(1, 1)

    def step(g, carry):
        for j in range(2):
            t = 2 * g + j
            wait_load(j)
            scatter_chunk(j, t)

            @pl.when(g < _NHALF - 1)
            def _():
                start_load(j, t + 2)
        return carry
    lax.fori_loop(0, _NHALF, step, 0)

    tail_row = base + _NSTEP * _CH
    tl = pltpu.make_async_copy(
        data_hbm.at[pl.ds(tail_row, _NTAIL * _SCH), :],
        dbufs[0].at[pl.ds(0, _NTAIL * _SCH), :], sld[0])
    tl.start()
    tl.wait()
    scatter_chunk(0, _NSTEP, _NTAIL)
    plsc.subcore_barrier()

    r0 = s * _ROWS_PER_SUB

    @pl.when(s < _NS - 1)
    def _():
        pltpu.sync_copy(acc.at[pl.ds(r0, _ROWS_PER_SUB), :],
                        out_hbm.at[c, pl.ds(r0, _ROWS_PER_SUB), :])

    @pl.when(s == _NS - 1)
    def _():
        pltpu.sync_copy(acc.at[pl.ds(15 * _ROWS_PER_SUB, _ROWS_LAST), :],
                        out_hbm.at[c, pl.ds(15 * _ROWS_PER_SUB,
                                            _ROWS_LAST), :])


_sc_seg_sum = functools.partial(
    pl.kernel,
    out_type=jax.ShapeDtypeStruct((_NC, N_SEGMENTS, D_FEAT), jnp.float32),
    mesh=plsc.VectorSubcoreMesh(core_axis_name="c", subcore_axis_name="s"),
    scratch_types=[
        [pltpu.VMEM((_CH, D_FEAT), jnp.float32) for _ in range(2)],
        pltpu.VMEM((_E_PER_TILE,), jnp.int32),
        pltpu.VMEM_SHARED((N_SEGMENTS, D_FEAT), jnp.float32),
        [pltpu.SemaphoreType.DMA, pltpu.SemaphoreType.DMA],
        pltpu.SemaphoreType.DMA,
    ],
)(_sc_body)


def _add_body(a_ref, b_ref, o_ref):
    o_ref[...] = a_ref[0] + b_ref[0]


_ROWS_PER_BLK = 5000


def _merge_partials(partial):
    return pl.pallas_call(
        _add_body,
        grid=(N_SEGMENTS // _ROWS_PER_BLK,),
        in_specs=[
            pl.BlockSpec((1, _ROWS_PER_BLK, D_FEAT), lambda i: (0, i, 0)),
            pl.BlockSpec((1, _ROWS_PER_BLK, D_FEAT), lambda i: (1, i, 0)),
        ],
        out_specs=pl.BlockSpec((_ROWS_PER_BLK, D_FEAT), lambda i: (i, 0)),
        out_shape=jax.ShapeDtypeStruct((N_SEGMENTS, D_FEAT), jnp.float32),
    )(partial, partial)


def kernel(data, segments, num_segments, ctx):
    partial = _sc_seg_sum(data, segments.astype(jnp.int32))
    return _merge_partials(partial)

# --- scband reference (transcript-rebuilt; emitter-appended) ---
"""Pipeline reference for scband-segment-reduction-15710990369302 (READ-ONLY COPY).

The authoritative reference and input builder live on the scoring server;
editing this copy changes nothing except your own understanding.
"""

import jax, jax.numpy as jnp
import numpy as np

N_EDGES = 320000
D_FEAT = 128
N_SEGMENTS = 10000


def setup_inputs(seed: int = 0) -> dict:
    key = jax.random.key(seed)
    k1, k2 = jax.random.split(key)
    data = jax.random.normal(k1, (N_EDGES, D_FEAT), dtype=jnp.float32)
    segments = jnp.sort(jax.random.randint(k2, (N_EDGES,), 0, N_SEGMENTS, dtype=jnp.int64 if jax.config.jax_enable_x64 else jnp.int32)).astype(jnp.int32)
    return {"data": data, "segments": segments, "num_segments": N_SEGMENTS, "ctx": 0}


def reference(data, segments, num_segments, ctx):
    # Faithful translation of SegmentReduction(reduction='sum').__call__:
    # dispatches to jax.ops.segment_sum; ctx is unused in the original forward.
    out = jax.ops.segment_sum(data, segments, num_segments=N_SEGMENTS)
    zero = (jnp.asarray(num_segments) - jnp.asarray(num_segments)).astype(data.dtype)
    return out + zero

if __name__ == "__main__":
    import jax
    _d = setup_inputs()
    print(jax.jit(kernel)(*tuple(_d.values())))

</pallas_src>

<mosaic_0001>
#map = affine_map<(d0, d1) -> (0, 0)>
#map1 = affine_map<(d0, d1) -> (0)>
#map2 = affine_map<(d0, d1) -> (0, 0, 0)>
module attributes {stable_mosaic.version = 14 : i64} {
  func.func @_sc_body(%arg0: i32, %arg1: i32, %arg2: memref<320000x128xf32, #tpu.memory_space<hbm>>, %arg3: memref<320000xi32, #tpu.memory_space<hbm>>, %arg4: memref<2x10000x128xf32, #tpu.memory_space<hbm>>, %arg5: memref<160x128xf32, #tpu.memory_space<vmem>>, %arg6: memref<160x128xf32, #tpu.memory_space<vmem>>, %arg7: memref<10000xi32, #tpu.memory_space<vmem>>, %arg8: memref<10000x128xf32, #tpu.memory_space<vmem_shared>>, %arg9: memref<!tpu.dma_semaphore, #tpu.memory_space<semaphore_mem>>, %arg10: memref<!tpu.dma_semaphore, #tpu.memory_space<semaphore_mem>>, %arg11: memref<!tpu.dma_semaphore, #tpu.memory_space<semaphore_mem>>) attributes {dimension_semantics = [#tpu.dimension_semantics<core_parallel>, #tpu.dimension_semantics<subcore_parallel>], iteration_bounds = array<i64: 2, 16>, scalar_prefetch = 0 : i64, scratch_operands = 7 : i64, tpu.core_type = #tpu.core_type<sc_vector_subcore>, window_params = [{transform_indices = #map}, {transform_indices = #map1}, {transform_indices = #map2}]} {
    %mul3A = arith.constant 16 : i32
    %mul3A_0 = arith.muli %arg0, %mul3A : i32
    %add3A = arith.addi %mul3A_0, %arg1 : i32
    %mul3A_1 = arith.constant 10000 : i32
    %mul3A_2 = arith.muli %add3A, %mul3A_1 : i32
    %scan3A = arith.constant 0 : i32
    %scan3A_3 = arith.constant 0 : i32
    %scan3A_4 = arith.constant 160 : i32
    %scan3A_5 = arith.addi %scan3A_3, %scan3A_4 : i32
    %scan3A_6 = arith.constant 1 : i32
    scf.for %scan3A_102 = %scan3A_3 to %scan3A_5 step %scan3A_6  : i32 {
      %scan3A_103 = arith.constant 0 : i32
      %scan3A_104 = arith.constant 8 : i32
      %scan3A_105 = arith.addi %scan3A_103, %scan3A_104 : i32
      %scan3A_106 = arith.constant 1 : i32
      scf.for %scan3A_108 = %scan3A_103 to %scan3A_105 step %scan3A_106  : i32 {
        %broadcast_in_dim3A = arith.constant 0.000000e+00 : f32
        %broadcast_in_dim3A_109 = vector.broadcast %broadcast_in_dim3A : f32 to vector<16xf32>
        %mul3A_110 = arith.constant 16 : i32
        %mul3A_111 = arith.muli %scan3A_108, %mul3A_110 : i32
        %swap3A = arith.index_cast %scan3A_102 : i32 to index
        %swap3A_112 = arith.index_cast %mul3A_111 : i32 to index
        %swap3A_113 = tpu.vector_load %arg5[%swap3A, %swap3A_112] {strides = array<i32>} : memref<160x128xf32, #tpu.memory_space<vmem>>, vector<1x16xf32>,
        %swap3A_114 = vector.shape_cast %swap3A_113 : vector<1x16xf32> to vector<16xf32>
        %swap3A_115 = vector.shape_cast %broadcast_in_dim3A_109 : vector<16xf32> to vector<1x16xf32>
        tpu.vector_store %arg5[%swap3A, %swap3A_112], %swap3A_115 {strides = array<i32>} : memref<160x128xf32, #tpu.memory_space<vmem>>, vector<1x16xf32>,
      }
      %scan3A_107 = arith.constant 8 : i32
    }
    %scan3A_7 = arith.constant 160 : i32
    %scan3A_8 = arith.constant 0 : i32
    %scan3A_9 = arith.constant 0 : i32
    %scan3A_10 = arith.constant 3 : i32
    %scan3A_11 = arith.addi %scan3A_9, %scan3A_10 : i32
    %scan3A_12 = arith.constant 1 : i32
    scf.for %scan3A_102 = %scan3A_9 to %scan3A_11 step %scan3A_12  : i32 {
      %mul3A_103 = arith.constant 624 : i32
      %mul3A_104 = arith.muli %arg1, %mul3A_103 : i32
      %mul3A_105 = arith.constant 160 : i32
      %mul3A_106 = arith.muli %scan3A_102, %mul3A_105 : i32
      %add3A_107 = arith.addi %mul3A_104, %mul3A_106 : i32
      "tpu.region"() ({
        %run_scoped3A = tpu.sem_alloc : memref<!tpu.dma_semaphore, #tpu.memory_space<semaphore_mem>>
        %dma_start3A_108 = arith.constant 0 : i32
        %dma_start3A_109 = tpu.memref_slice %arg8[%add3A_107, %dma_start3A_108] : memref<10000x128xf32, #tpu.memory_space<vmem_shared>> -> memref<160x128xf32, #tpu.memory_space<vmem_shared>>
        %dma_start3A_110 = arith.constant 0 : i32
        %dma_start3A_111 = tpu.memref_slice %arg8[%add3A_107, %dma_start3A_110] : memref<10000x128xf32, #tpu.memory_space<vmem_shared>> -> memref<160x128xf32, #tpu.memory_space<vmem_shared>>
        tpu.enqueue_dma source(%arg5 : memref<160x128xf32, #tpu.memory_space<vmem>>) target(%dma_start3A_111 : memref<160x128xf32, #tpu.memory_space<vmem_shared>>) target_semaphore(%run_scoped3A : memref<!tpu.dma_semaphore, #tpu.memory_space<semaphore_mem>>)
        %dma_wait3A_112 = arith.constant 0 : i32
        %dma_wait3A_113 = tpu.memref_slice %arg8[%add3A_107, %dma_wait3A_112] : memref<10000x128xf32, #tpu.memory_space<vmem_shared>> -> memref<160x128xf32, #tpu.memory_space<vmem_shared>>
        %dma_wait3A_114 = arith.constant 0 : i32
        %dma_wait3A_115 = tpu.memref_slice %arg8[%add3A_107, %dma_wait3A_114] : memref<10000x128xf32, #tpu.memory_space<vmem_shared>> -> memref<160x128xf32, #tpu.memory_space<vmem_shared>>
        tpu.wait_dma2 semaphore(%run_scoped3A : memref<!tpu.dma_semaphore, #tpu.memory_space<semaphore_mem>>) src(%arg5 : memref<160x128xf32, #tpu.memory_space<vmem>>) dst(%dma_wait3A_115 : memref<160x128xf32, #tpu.memory_space<vmem_shared>>)
        tpu.yield
      }) : () -> ()
    }
    %scan3A_13 = arith.constant 3 : i32
    %mul3A_14 = arith.constant 624 : i32
    %mul3A_15 = arith.muli %arg1, %mul3A_14 : i32
    %add3A_16 = arith.constant 480 : i32
    %add3A_17 = arith.addi %mul3A_15, %add3A_16 : i32
    "tpu.region"() ({
      %run_scoped3A = tpu.sem_alloc : memref<!tpu.dma_semaphore, #tpu.memory_space<semaphore_mem>>
      %dma_start3A_102 = arith.constant 0 : i32
      %dma_start3A_103 = arith.constant 0 : i32
      %dma_start3A_104 = tpu.memref_slice %arg5[%dma_start3A_102, %dma_start3A_103] : memref<160x128xf32, #tpu.memory_space<vmem>> -> memref<144x128xf32, #tpu.memory_space<vmem>>
      %dma_start3A_105 = arith.constant 0 : i32
      %dma_start3A_106 = tpu.memref_slice %arg8[%add3A_17, %dma_start3A_105] : memref<10000x128xf32, #tpu.memory_space<vmem_shared>> -> memref<144x128xf32, #tpu.memory_space<vmem_shared>>
      %dma_start3A_107 = arith.constant 0 : i32
      %dma_start3A_108 = tpu.memref_slice %arg8[%add3A_17, %dma_start3A_107] : memref<10000x128xf32, #tpu.memory_space<vmem_shared>> -> memref<144x128xf32, #tpu.memory_space<vmem_shared>>
      %dma_start3A_109 = arith.constant 0 : i32
      %dma_start3A_110 = arith.constant 0 : i32
      %dma_start3A_111 = tpu.memref_slice %arg5[%dma_start3A_109, %dma_start3A_110] : memref<160x128xf32, #tpu.memory_space<vmem>> -> memref<144x128xf32, #tpu.memory_space<vmem>>
      tpu.enqueue_dma source(%dma_start3A_111 : memref<144x128xf32, #tpu.memory_space<vmem>>) target(%dma_start3A_108 : memref<144x128xf32, #tpu.memory_space<vmem_shared>>) target_semaphore(%run_scoped3A : memref<!tpu.dma_semaphore, #tpu.memory_space<semaphore_mem>>)
      %dma_wait3A_112 = arith.constant 0 : i32
      %dma_wait3A_113 = arith.constant 0 : i32
      %dma_wait3A_114 = tpu.memref_slice %arg5[%dma_wait3A_112, %dma_wait3A_113] : memref<160x128xf32, #tpu.memory_space<vmem>> -> memref<144x128xf32, #tpu.memory_space<vmem>>
      %dma_wait3A_115 = arith.constant 0 : i32
      %dma_wait3A_116 = tpu.memref_slice %arg8[%add3A_17, %dma_wait3A_115] : memref<10000x128xf32, #tpu.memory_space<vmem_shared>> -> memref<144x128xf32, #tpu.memory_space<vmem_shared>>
      %dma_wait3A_117 = arith.constant 0 : i32
      %dma_wait3A_118 = tpu.memref_slice %arg8[%add3A_17, %dma_wait3A_117] : memref<10000x128xf32, #tpu.memory_space<vmem_shared>> -> memref<144x128xf32, #tpu.memory_space<vmem_shared>>
      %dma_wait3A_119 = arith.constant 0 : i32
      %dma_wait3A_120 = arith.constant 0 : i32
      %dma_wait3A_121 = tpu.memref_slice %arg5[%dma_wait3A_119, %dma_wait3A_120] : memref<160x128xf32, #tpu.memory_space<vmem>> -> memref<144x128xf32, #tpu.memory_space<vmem>>
      tpu.wait_dma2 semaphore(%run_scoped3A : memref<!tpu.dma_semaphore, #tpu.memory_space<semaphore_mem>>) src(%dma_wait3A_121 : memref<144x128xf32, #tpu.memory_space<vmem>>) dst(%dma_wait3A_118 : memref<144x128xf32, #tpu.memory_space<vmem_shared>>)
      tpu.yield
    }) : () -> ()
    %eq3A = arith.constant 15 : i32
    %eq3A_18 = arith.cmpi eq, %arg1, %eq3A : i32
    %convert_element_type3A = arith.extui %eq3A_18 : i1 to i32
    %cond3A = arith.constant 0 : i32
    %cond3A_19 = arith.cmpi ne, %convert_element_type3A, %cond3A : i32
    scf.if %cond3A_19 {
      "tpu.region"() ({
        %run_scoped3A = tpu.sem_alloc : memref<!tpu.dma_semaphore, #tpu.memory_space<semaphore_mem>>
        %dma_start3A_102 = arith.constant 0 : i32
        %dma_start3A_103 = arith.constant 0 : i32
        %dma_start3A_104 = tpu.memref_slice %arg5[%dma_start3A_102, %dma_start3A_103] : memref<160x128xf32, #tpu.memory_space<vmem>> -> memref<16x128xf32, #tpu.memory_space<vmem>>
        %dma_start3A_105 = arith.constant 9984 : i32
        %dma_start3A_106 = arith.constant 0 : i32
        %dma_start3A_107 = tpu.memref_slice %arg8[%dma_start3A_105, %dma_start3A_106] : memref<10000x128xf32, #tpu.memory_space<vmem_shared>> -> memref<16x128xf32, #tpu.memory_space<vmem_shared>>
        %dma_start3A_108 = arith.constant 9984 : i32
        %dma_start3A_109 = arith.constant 0 : i32
        %dma_start3A_110 = tpu.memref_slice %arg8[%dma_start3A_108, %dma_start3A_109] : memref<10000x128xf32, #tpu.memory_space<vmem_shared>> -> memref<16x128xf32, #tpu.memory_space<vmem_shared>>
        %dma_start3A_111 = arith.constant 0 : i32
        %dma_start3A_112 = arith.constant 0 : i32
        %dma_start3A_113 = tpu.memref_slice %arg5[%dma_start3A_111, %dma_start3A_112] : memref<160x128xf32, #tpu.memory_space<vmem>> -> memref<16x128xf32, #tpu.memory_space<vmem>>
        tpu.enqueue_dma source(%dma_start3A_113 : memref<16x128xf32, #tpu.memory_space<vmem>>) target(%dma_start3A_110 : memref<16x128xf32, #tpu.memory_space<vmem_shared>>) target_semaphore(%run_scoped3A : memref<!tpu.dma_semaphore, #tpu.memory_space<semaphore_mem>>)
        %dma_wait3A_114 = arith.constant 0 : i32
        %dma_wait3A_115 = arith.constant 0 : i32
        %dma_wait3A_116 = tpu.memref_slice %arg5[%dma_wait3A_114, %dma_wait3A_115] : memref<160x128xf32, #tpu.memory_space<vmem>> -> memref<16x128xf32, #tpu.memory_space<vmem>>
        %dma_wait3A_117 = arith.constant 9984 : i32
        %dma_wait3A_118 = arith.constant 0 : i32
        %dma_wait3A_119 = tpu.memref_slice %arg8[%dma_wait3A_117, %dma_wait3A_118] : memref<10000x128xf32, #tpu.memory_space<vmem_shared>> -> memref<16x128xf32, #tpu.memory_space<vmem_shared>>
        %dma_wait3A_120 = arith.constant 9984 : i32
        %dma_wait3A_121 = arith.constant 0 : i32
        %dma_wait3A_122 = tpu.memref_slice %arg8[%dma_wait3A_120, %dma_wait3A_121] : memref<10000x128xf32, #tpu.memory_space<vmem_shared>> -> memref<16x128xf32, #tpu.memory_space<vmem_shared>>
        %dma_wait3A_123 = arith.constant 0 : i32
        %dma_wait3A_124 = arith.constant 0 : i32
        %dma_wait3A_125 = tpu.memref_slice %arg5[%dma_wait3A_123, %dma_wait3A_124] : memref<160x128xf32, #tpu.memory_space<vmem>> -> memref<16x128xf32, #tpu.memory_space<vmem>>
        tpu.wait_dma2 semaphore(%run_scoped3A : memref<!tpu.dma_semaphore, #tpu.memory_space<semaphore_mem>>) src(%dma_wait3A_125 : memref<16x128xf32, #tpu.memory_space<vmem>>) dst(%dma_wait3A_122 : memref<16x128xf32, #tpu.memory_space<vmem_shared>>)
        tpu.yield
      }) : () -> ()
    } else {
    }
    %barrier3A = arith.constant 0 : index
    tpu.barrier barrier_id(%barrier3A)
    "tpu.region"() ({
      %run_scoped3A = tpu.sem_alloc : memref<!tpu.dma_semaphore, #tpu.memory_space<semaphore_mem>>
      %dma_start3A_102 = tpu.memref_slice %arg3[%mul3A_2] : memref<320000xi32, #tpu.memory_space<hbm>> -> memref<10000xi32, #tpu.memory_space<hbm>>
      %dma_start3A_103 = tpu.memref_slice %arg3[%mul3A_2] : memref<320000xi32, #tpu.memory_space<hbm>> -> memref<10000xi32, #tpu.memory_space<hbm>>
      tpu.enqueue_dma source(%dma_start3A_103 : memref<10000xi32, #tpu.memory_space<hbm>>) target(%arg7 : memref<10000xi32, #tpu.memory_space<vmem>>) target_semaphore(%run_scoped3A : memref<!tpu.dma_semaphore, #tpu.memory_space<semaphore_mem>>)
      %dma_wait3A_104 = tpu.memref_slice %arg3[%mul3A_2] : memref<320000xi32, #tpu.memory_space<hbm>> -> memref<10000xi32, #tpu.memory_space<hbm>>
      %dma_wait3A_105 = tpu.memref_slice %arg3[%mul3A_2] : memref<320000xi32, #tpu.memory_space<hbm>> -> memref<10000xi32, #tpu.memory_space<hbm>>
      tpu.wait_dma2 semaphore(%run_scoped3A : memref<!tpu.dma_semaphore, #tpu.memory_space<semaphore_mem>>) src(%dma_wait3A_105 : memref<10000xi32, #tpu.memory_space<hbm>>) dst(%arg7 : memref<10000xi32, #tpu.memory_space<vmem>>)
      tpu.yield
    }) : () -> ()
    %add3A_20 = arith.constant 0 : i32
    %add3A_21 = arith.addi %mul3A_2, %add3A_20 : i32
    %dma_start3A = arith.constant 0 : i32
    %dma_start3A_22 = tpu.memref_slice %arg2[%add3A_21, %dma_start3A] : memref<320000x128xf32, #tpu.memory_space<hbm>> -> memref<160x128xf32, #tpu.memory_space<hbm>>
    %dma_start3A_23 = arith.constant 0 : i32
    %dma_start3A_24 = tpu.memref_slice %arg2[%add3A_21, %dma_start3A_23] : memref<320000x128xf32, #tpu.memory_space<hbm>> -> memref<160x128xf32, #tpu.memory_space<hbm>>
    tpu.enqueue_dma source(%dma_start3A_24 : memref<160x128xf32, #tpu.memory_space<hbm>>) target(%arg5 : memref<160x128xf32, #tpu.memory_space<vmem>>) target_semaphore(%arg9 : memref<!tpu.dma_semaphore, #tpu.memory_space<semaphore_mem>>)
    %add3A_25 = arith.constant 160 : i32
    %add3A_26 = arith.addi %mul3A_2, %add3A_25 : i32
    %dma_start3A_27 = arith.constant 0 : i32
    %dma_start3A_28 = tpu.memref_slice %arg2[%add3A_26, %dma_start3A_27] : memref<320000x128xf32, #tpu.memory_space<hbm>> -> memref<160x128xf32, #tpu.memory_space<hbm>>
    %dma_start3A_29 = arith.constant 0 : i32
    %dma_start3A_30 = tpu.memref_slice %arg2[%add3A_26, %dma_start3A_29] : memref<320000x128xf32, #tpu.memory_space<hbm>> -> memref<160x128xf32, #tpu.memory_space<hbm>>
    tpu.enqueue_dma source(%dma_start3A_30 : memref<160x128xf32, #tpu.memory_space<hbm>>) target(%arg6 : memref<160x128xf32, #tpu.memory_space<vmem>>) target_semaphore(%arg10 : memref<!tpu.dma_semaphore, #tpu.memory_space<semaphore_mem>>)
    %scan3A_31 = arith.constant 0 : i32
    %scan3A_32 = arith.constant 0 : i32
    %scan3A_33 = arith.constant 31 : i32
    %scan3A_34 = arith.addi %scan3A_32, %scan3A_33 : i32
    %scan3A_35 = arith.constant 1 : i32
    scf.for %scan3A_102 = %scan3A_32 to %scan3A_34 step %scan3A_35  : i32 {
      %mul3A_103 = arith.constant 2 : i32
      %mul3A_104 = arith.muli %mul3A_103, %scan3A_102 : i32
      %add3A_105 = arith.constant 0 : i32
      %add3A_106 = arith.addi %mul3A_104, %add3A_105 : i32
      %dma_wait3A_107 = arith.constant 0 : i32
      %dma_wait3A_108 = tpu.memref_slice %arg2[%mul3A_2, %dma_wait3A_107] : memref<320000x128xf32, #tpu.memory_space<hbm>> -> memref<160x128xf32, #tpu.memory_space<hbm>>
      %dma_wait3A_109 = arith.constant 0 : i32
      %dma_wait3A_110 = tpu.memref_slice %arg2[%mul3A_2, %dma_wait3A_109] : memref<320000x128xf32, #tpu.memory_space<hbm>> -> memref<160x128xf32, #tpu.memory_space<hbm>>
      tpu.wait_dma2 semaphore(%arg9 : memref<!tpu.dma_semaphore, #tpu.memory_space<semaphore_mem>>) src(%dma_wait3A_110 : memref<160x128xf32, #tpu.memory_space<hbm>>) dst(%arg5 : memref<160x128xf32, #tpu.memory_space<vmem>>)
      %mul3A_111 = arith.constant 4 : i32
      %mul3A_112 = arith.muli %mul3A_111, %add3A_106 : i32
      %add3A_113 = arith.constant 0 : i32
      %add3A_114 = arith.addi %mul3A_112, %add3A_113 : i32
      %mul3A_115 = arith.constant 40 : i32
      %mul3A_116 = arith.muli %add3A_114, %mul3A_115 : i32
      %dma_start3A_117 = arith.constant 0 : i32
      %dma_start3A_118 = arith.constant 0 : i32
      %dma_start3A_119 = tpu.memref_slice %arg5[%dma_start3A_117, %dma_start3A_118] : memref<160x128xf32, #tpu.memory_space<vmem>> -> memref<40x128xf32, #tpu.memory_space<vmem>>
      %dma_start3A_120 = tpu.memref_slice %arg7[%mul3A_116] : memref<10000xi32, #tpu.memory_space<vmem>> -> memref<40xi32, #tpu.memory_space<vmem>>
      %dma_start3A_121 = arith.constant 0 : i32
      %dma_start3A_122 = arith.constant 0 : i32
      %dma_start3A_123 = tpu.memref_slice %arg8[%dma_start3A_121, %dma_start3A_122] : memref<10000x128xf32, #tpu.memory_space<vmem_shared>> -> memref<10000x128xf32, #tpu.memory_space<vmem_shared>>
      tpu.enqueue_indirect_dma source(%dma_start3A_119 : memref<40x128xf32, #tpu.memory_space<vmem>>) target(%dma_start3A_123 : memref<10000x128xf32, #tpu.memory_space<vmem_shared>>) offsets(%dma_start3A_120 : memref<40xi32, #tpu.memory_space<vmem>>) semaphore(%arg11 : memref<!tpu.dma_semaphore, #tpu.memory_space<semaphore_mem>>) {add = true}
      %mul3A_124 = arith.constant 4 : i32
      %mul3A_125 = arith.muli %mul3A_124, %add3A_106 : i32
      %add3A_126 = arith.constant 1 : i32
      %add3A_127 = arith.addi %mul3A_125, %add3A_126 : i32
      %mul3A_128 = arith.constant 40 : i32
      %mul3A_129 = arith.muli %add3A_127, %mul3A_128 : i32
      %dma_start3A_130 = arith.constant 40 : i32
      %dma_start3A_131 = arith.constant 0 : i32
      %dma_start3A_132 = tpu.memref_slice %arg5[%dma_start3A_130, %dma_start3A_131] : memref<160x128xf32, #tpu.memory_space<vmem>> -> memref<40x128xf32, #tpu.memory_space<vmem>>
      %dma_start3A_133 = tpu.memref_slice %arg7[%mul3A_129] : memref<10000xi32, #tpu.memory_space<vmem>> -> memref<40xi32, #tpu.memory_space<vmem>>
      %dma_start3A_134 = arith.constant 0 : i32
      %dma_start3A_135 = arith.constant 0 : i32
      %dma_start3A_136 = tpu.memref_slice %arg8[%dma_start3A_134, %dma_start3A_135] : memref<10000x128xf32, #tpu.memory_space<vmem_shared>> -> memref<10000x128xf32, #tpu.memory_space<vmem_shared>>
      tpu.enqueue_indirect_dma source(%dma_start3A_132 : memref<40x128xf32, #tpu.memory_space<vmem>>) target(%dma_start3A_136 : memref<10000x128xf32, #tpu.memory_space<vmem_shared>>) offsets(%dma_start3A_133 : memref<40xi32, #tpu.memory_space<vmem>>) semaphore(%arg11 : memref<!tpu.dma_semaphore, #tpu.memory_space<semaphore_mem>>) {add = true}
      %mul3A_137 = arith.constant 4 : i32
      %mul3A_138 = arith.muli %mul3A_137, %add3A_106 : i32
      %add3A_139 = arith.constant 2 : i32
      %add3A_140 = arith.addi %mul3A_138, %add3A_139 : i32
      %mul3A_141 = arith.constant 40 : i32
      %mul3A_142 = arith.muli %add3A_140, %mul3A_141 : i32
      %dma_start3A_143 = arith.constant 80 : i32
      %dma_start3A_144 = arith.constant 0 : i32
      %dma_start3A_145 = tpu.memref_slice %arg5[%dma_start3A_143, %dma_start3A_144] : memref<160x128xf32, #tpu.memory_space<vmem>> -> memref<40x128xf32, #tpu.memory_space<vmem>>
      %dma_start3A_146 = tpu.memref_slice %arg7[%mul3A_142] : memref<10000xi32, #tpu.memory_space<vmem>> -> memref<40xi32, #tpu.memory_space<vmem>>
      %dma_start3A_147 = arith.constant 0 : i32
      %dma_start3A_148 = arith.constant 0 : i32
      %dma_start3A_149 = tpu.memref_slice %arg8[%dma_start3A_147, %dma_start3A_148] : memref<10000x128xf32, #tpu.memory_space<vmem_shared>> -> memref<10000x128xf32, #tpu.memory_space<vmem_shared>>
      tpu.enqueue_indirect_dma source(%dma_start3A_145 : memref<40x128xf32, #tpu.memory_space<vmem>>) target(%dma_start3A_149 : memref<10000x128xf32, #tpu.memory_space<vmem_shared>>) offsets(%dma_start3A_146 : memref<40xi32, #tpu.memory_space<vmem>>) semaphore(%arg11 : memref<!tpu.dma_semaphore, #tpu.memory_space<semaphore_mem>>) {add = true}
      %mul3A_150 = arith.constant 4 : i32
      %mul3A_151 = arith.muli %mul3A_150, %add3A_106 : i32
      %add3A_152 = arith.constant 3 : i32
      %add3A_153 = arith.addi %mul3A_151, %add3A_152 : i32
      %mul3A_154 = arith.constant 40 : i32
      %mul3A_155 = arith.muli %add3A_153, %mul3A_154 : i32
      %dma_start3A_156 = arith.constant 120 : i32
      %dma_start3A_157 = arith.constant 0 : i32
      %dma_start3A_158 = tpu.memref_slice %arg5[%dma_start3A_156, %dma_start3A_157] : memref<160x128xf32, #tpu.memory_space<vmem>> -> memref<40x128xf32, #tpu.memory_space<vmem>>
      %dma_start3A_159 = tpu.memref_slice %arg7[%mul3A_155] : memref<10000xi32, #tpu.memory_space<vmem>> -> memref<40xi32, #tpu.memory_space<vmem>>
      %dma_start3A_160 = arith.constant 0 : i32
      %dma_start3A_161 = arith.constant 0 : i32
      %dma_start3A_162 = tpu.memref_slice %arg8[%dma_start3A_160, %dma_start3A_161] : memref<10000x128xf32, #tpu.memory_space<vmem_shared>> -> memref<10000x128xf32, #tpu.memory_space<vmem_shared>>
      tpu.enqueue_indirect_dma source(%dma_start3A_158 : memref<40x128xf32, #tpu.memory_space<vmem>>) target(%dma_start3A_162 : memref<10000x128xf32, #tpu.memory_space<vmem_shared>>) offsets(%dma_start3A_159 : memref<40xi32, #tpu.memory_space<vmem>>) semaphore(%arg11 : memref<!tpu.dma_semaphore, #tpu.memory_space<semaphore_mem>>) {add = true}
      %dma_wait3A_163 = arith.constant 0 : i32
      %dma_wait3A_164 = arith.constant 0 : i32
      %dma_wait3A_165 = tpu.memref_slice %arg5[%dma_wait3A_163, %dma_wait3A_164] : memref<160x128xf32, #tpu.memory_space<vmem>> -> memref<40x128xf32, #tpu.memory_space<vmem>>
      %dma_wait3A_166 = tpu.memref_slice %arg7[%mul3A_116] : memref<10000xi32, #tpu.memory_space<vmem>> -> memref<40xi32, #tpu.memory_space<vmem>>
      %dma_wait3A_167 = arith.constant 0 : i32
      %dma_wait3A_168 = arith.constant 0 : i32
      %dma_wait3A_169 = tpu.memref_slice %arg8[%dma_wait3A_167, %dma_wait3A_168] : memref<10000x128xf32, #tpu.memory_space<vmem_shared>> -> memref<10000x128xf32, #tpu.memory_space<vmem_shared>>
      tpu.wait_indirect_dma semaphore(%arg11 : memref<!tpu.dma_semaphore, #tpu.memory_space<semaphore_mem>>) src(%dma_wait3A_165 : memref<40x128xf32, #tpu.memory_space<vmem>>) dst(%dma_wait3A_169 : memref<10000x128xf32, #tpu.memory_space<vmem_shared>>)
      %dma_wait3A_170 = arith.constant 40 : i32
      %dma_wait3A_171 = arith.constant 0 : i32
      %dma_wait3A_172 = tpu.memref_slice %arg5[%dma_wait3A_170, %dma_wait3A_171] : memref<160x128xf32, #tpu.memory_space<vmem>> -> memref<40x128xf32, #tpu.memory_space<vmem>>
      %dma_wait3A_173 = tpu.memref_slice %arg7[%mul3A_129] : memref<10000xi32, #tpu.memory_space<vmem>> -> memref<40xi32, #tpu.memory_space<vmem>>
      %dma_wait3A_174 = arith.constant 0 : i32
      %dma_wait3A_175 = arith.constant 0 : i32
      %dma_wait3A_176 = tpu.memref_slice %arg8[%dma_wait3A_174, %dma_wait3A_175] : memref<10000x128xf32, #tpu.memory_space<vmem_shared>> -> memref<10000x128xf32, #tpu.memory_space<vmem_shared>>
      tpu.wait_indirect_dma semaphore(%arg11 : memref<!tpu.dma_semaphore, #tpu.memory_space<semaphore_mem>>) src(%dma_wait3A_172 : memref<40x128xf32, #tpu.memory_space<vmem>>) dst(%dma_wait3A_176 : memref<10000x128xf32, #tpu.memory_space<vmem_shared>>)
      %dma_wait3A_177 = arith.constant 80 : i32
      %dma_wait3A_178 = arith.constant 0 : i32
      %dma_wait3A_179 = tpu.memref_slice %arg5[%dma_wait3A_177, %dma_wait3A_178] : memref<160x128xf32, #tpu.memory_space<vmem>> -> memref<40x128xf32, #tpu.memory_space<vmem>>
      %dma_wait3A_180 = tpu.memref_slice %arg7[%mul3A_142] : memref<10000xi32, #tpu.memory_space<vmem>> -> memref<40xi32, #tpu.memory_space<vmem>>
      %dma_wait3A_181 = arith.constant 0 : i32
      %dma_wait3A_182 = arith.constant 0 : i32
      %dma_wait3A_183 = tpu.memref_slice %arg8[%dma_wait3A_181, %dma_wait3A_182] : memref<10000x128xf32, #tpu.memory_space<vmem_shared>> -> memref<10000x128xf32, #tpu.memory_space<vmem_shared>>
      tpu.wait_indirect_dma semaphore(%arg11 : memref<!tpu.dma_semaphore, #tpu.memory_space<semaphore_mem>>) src(%dma_wait3A_179 : memref<40x128xf32, #tpu.memory_space<vmem>>) dst(%dma_wait3A_183 : memref<10000x128xf32, #tpu.memory_space<vmem_shared>>)
      %dma_wait3A_184 = arith.constant 120 : i32
      %dma_wait3A_185 = arith.constant 0 : i32
      %dma_wait3A_186 = tpu.memref_slice %arg5[%dma_wait3A_184, %dma_wait3A_185] : memref<160x128xf32, #tpu.memory_space<vmem>> -> memref<40x128xf32, #tpu.memory_space<vmem>>
      %dma_wait3A_187 = tpu.memref_slice %arg7[%mul3A_155] : memref<10000xi32, #tpu.memory_space<vmem>> -> memref<40xi32, #tpu.memory_space<vmem>>
      %dma_wait3A_188 = arith.constant 0 : i32
      %dma_wait3A_189 = arith.constant 0 : i32
      %dma_wait3A_190 = tpu.memref_slice %arg8[%dma_wait3A_188, %dma_wait3A_189] : memref<10000x128xf32, #tpu.memory_space<vmem_shared>> -> memref<10000x128xf32, #tpu.memory_space<vmem_shared>>
      tpu.wait_indirect_dma semaphore(%arg11 : memref<!tpu.dma_semaphore, #tpu.memory_space<semaphore_mem>>) src(%dma_wait3A_186 : memref<40x128xf32, #tpu.memory_space<vmem>>) dst(%dma_wait3A_190 : memref<10000x128xf32, #tpu.memory_space<vmem_shared>>)
      %lt3A_191 = arith.constant 30 : i32
      %lt3A_192 = arith.cmpi slt, %scan3A_102, %lt3A_191 : i32
      %convert_element_type3A_193 = arith.extui %lt3A_192 : i1 to i32
      %cond3A_194 = arith.constant 0 : i32
      %cond3A_195 = arith.cmpi ne, %convert_element_type3A_193, %cond3A_194 : i32
      scf.if %cond3A_195 {
        %add3A_289 = arith.constant 2 : i32
        %add3A_290 = arith.addi %add3A_106, %add3A_289 : i32
        %mul3A_291 = arith.constant 160 : i32
        %mul3A_292 = arith.muli %add3A_290, %mul3A_291 : i32
        %add3A_293 = arith.addi %mul3A_2, %mul3A_292 : i32
        %dma_start3A_294 = arith.constant 0 : i32
        %dma_start3A_295 = tpu.memref_slice %arg2[%add3A_293, %dma_start3A_294] : memref<320000x128xf32, #tpu.memory_space<hbm>> -> memref<160x128xf32, #tpu.memory_space<hbm>>
        %dma_start3A_296 = arith.constant 0 : i32
        %dma_start3A_297 = tpu.memref_slice %arg2[%add3A_293, %dma_start3A_296] : memref<320000x128xf32, #tpu.memory_space<hbm>> -> memref<160x128xf32, #tpu.memory_space<hbm>>
        tpu.enqueue_dma source(%dma_start3A_297 : memref<160x128xf32, #tpu.memory_space<hbm>>) target(%arg5 : memref<160x128xf32, #tpu.memory_space<vmem>>) target_semaphore(%arg9 : memref<!tpu.dma_semaphore, #tpu.memory_space<semaphore_mem>>)
      } else {
      }
      %mul3A_196 = arith.constant 2 : i32
      %mul3A_197 = arith.muli %mul3A_196, %scan3A_102 : i32
      %add3A_198 = arith.constant 1 : i32
      %add3A_199 = arith.addi %mul3A_197, %add3A_198 : i32
      %dma_wait3A_200 = arith.constant 0 : i32
      %dma_wait3A_201 = tpu.memref_slice %arg2[%mul3A_2, %dma_wait3A_200] : memref<320000x128xf32, #tpu.memory_space<hbm>> -> memref<160x128xf32, #tpu.memory_space<hbm>>
      %dma_wait3A_202 = arith.constant 0 : i32
      %dma_wait3A_203 = tpu.memref_slice %arg2[%mul3A_2, %dma_wait3A_202] : memref<320000x128xf32, #tpu.memory_space<hbm>> -> memref<160x128xf32, #tpu.memory_space<hbm>>
      tpu.wait_dma2 semaphore(%arg10 : memref<!tpu.dma_semaphore, #tpu.memory_space<semaphore_mem>>) src(%dma_wait3A_203 : memref<160x128xf32, #tpu.memory_space<hbm>>) dst(%arg6 : memref<160x128xf32, #tpu.memory_space<vmem>>)
      %mul3A_204 = arith.constant 4 : i32
      %mul3A_205 = arith.muli %mul3A_204, %add3A_199 : i32
      %add3A_206 = arith.constant 0 : i32
      %add3A_207 = arith.addi %mul3A_205, %add3A_206 : i32
      %mul3A_208 = arith.constant 40 : i32
      %mul3A_209 = arith.muli %add3A_207, %mul3A_208 : i32
      %dma_start3A_210 = arith.constant 0 : i32
      %dma_start3A_211 = arith.constant 0 : i32
      %dma_start3A_212 = tpu.memref_slice %arg6[%dma_start3A_210, %dma_start3A_211] : memref<160x128xf32, #tpu.memory_space<vmem>> -> memref<40x128xf32, #tpu.memory_space<vmem>>
      %dma_start3A_213 = tpu.memref_slice %arg7[%mul3A_209] : memref<10000xi32, #tpu.memory_space<vmem>> -> memref<40xi32, #tpu.memory_space<vmem>>
      %dma_start3A_214 = arith.constant 0 : i32
      %dma_start3A_215 = arith.constant 0 : i32
      %dma_start3A_216 = tpu.memref_slice %arg8[%dma_start3A_214, %dma_start3A_215] : memref<10000x128xf32, #tpu.memory_space<vmem_shared>> -> memref<10000x128xf32, #tpu.memory_space<vmem_shared>>
      tpu.enqueue_indirect_dma source(%dma_start3A_212 : memref<40x128xf32, #tpu.memory_space<vmem>>) target(%dma_start3A_216 : memref<10000x128xf32, #tpu.memory_space<vmem_shared>>) offsets(%dma_start3A_213 : memref<40xi32, #tpu.memory_space<vmem>>) semaphore(%arg11 : memref<!tpu.dma_semaphore, #tpu.memory_space<semaphore_mem>>) {add = true}
      %mul3A_217 = arith.constant 4 : i32
      %mul3A_218 = arith.muli %mul3A_217, %add3A_199 : i32
      %add3A_219 = arith.constant 1 : i32
      %add3A_220 = arith.addi %mul3A_218, %add3A_219 : i32
      %mul3A_221 = arith.constant 40 : i32
      %mul3A_222 = arith.muli %add3A_220, %mul3A_221 : i32
      %dma_start3A_223 = arith.constant 40 : i32
      %dma_start3A_224 = arith.constant 0 : i32
      %dma_start3A_225 = tpu.memref_slice %arg6[%dma_start3A_223, %dma_start3A_224] : memref<160x128xf32, #tpu.memory_space<vmem>> -> memref<40x128xf32, #tpu.memory_space<vmem>>
      %dma_start3A_226 = tpu.memref_slice %arg7[%mul3A_222] : memref<10000xi32, #tpu.memory_space<vmem>> -> memref<40xi32, #tpu.memory_space<vmem>>
      %dma_start3A_227 = arith.constant 0 : i32
      %dma_start3A_228 = arith.constant 0 : i32
      %dma_start3A_229 = tpu.memref_slice %arg8[%dma_start3A_227, %dma_start3A_228] : memref<10000x128xf32, #tpu.memory_space<vmem_shared>> -> memref<10000x128xf32, #tpu.memory_space<vmem_shared>>
      tpu.enqueue_indirect_dma source(%dma_start3A_225 : memref<40x128xf32, #tpu.memory_space<vmem>>) target(%dma_start3A_229 : memref<10000x128xf32, #tpu.memory_space<vmem_shared>>) offsets(%dma_start3A_226 : memref<40xi32, #tpu.memory_space<vmem>>) semaphore(%arg11 : memref<!tpu.dma_semaphore, #tpu.memory_space<semaphore_mem>>) {add = true}
      %mul3A_230 = arith.constant 4 : i32
      %mul3A_231 = arith.muli %mul3A_230, %add3A_199 : i32
      %add3A_232 = arith.constant 2 : i32
      %add3A_233 = arith.addi %mul3A_231, %add3A_232 : i32
      %mul3A_234 = arith.constant 40 : i32
      %mul3A_235 = arith.muli %add3A_233, %mul3A_234 : i32
      %dma_start3A_236 = arith.constant 80 : i32
      %dma_start3A_237 = arith.constant 0 : i32
      %dma_start3A_238 = tpu.memref_slice %arg6[%dma_start3A_236, %dma_start3A_237] : memref<160x128xf32, #tpu.memory_space<vmem>> -> memref<40x128xf32, #tpu.memory_space<vmem>>
      %dma_start3A_239 = tpu.memref_slice %arg7[%mul3A_235] : memref<10000xi32, #tpu.memory_space<vmem>> -> memref<40xi32, #tpu.memory_space<vmem>>
      %dma_start3A_240 = arith.constant 0 : i32
      %dma_start3A_241 = arith.constant 0 : i32
      %dma_start3A_242 = tpu.memref_slice %arg8[%dma_start3A_240, %dma_start3A_241] : memref<10000x128xf32, #tpu.memory_space<vmem_shared>> -> memref<10000x128xf32, #tpu.memory_space<vmem_shared>>
      tpu.enqueue_indirect_dma source(%dma_start3A_238 : memref<40x128xf32, #tpu.memory_space<vmem>>) target(%dma_start3A_242 : memref<10000x128xf32, #tpu.memory_space<vmem_shared>>) offsets(%dma_start3A_239 : memref<40xi32, #tpu.memory_space<vmem>>) semaphore(%arg11 : memref<!tpu.dma_semaphore, #tpu.memory_space<semaphore_mem>>) {add = true}
      %mul3A_243 = arith.constant 4 : i32
      %mul3A_244 = arith.muli %mul3A_243, %add3A_199 : i32
      %add3A_245 = arith.constant 3 : i32
      %add3A_246 = arith.addi %mul3A_244, %add3A_245 : i32
      %mul3A_247 = arith.constant 40 : i32
      %mul3A_248 = arith.muli %add3A_246, %mul3A_247 : i32
      %dma_start3A_249 = arith.constant 120 : i32
      %dma_start3A_250 = arith.constant 0 : i32
      %dma_start3A_251 = tpu.memref_slice %arg6[%dma_start3A_249, %dma_start3A_250] : memref<160x128xf32, #tpu.memory_space<vmem>> -> memref<40x128xf32, #tpu.memory_space<vmem>>
      %dma_start3A_252 = tpu.memref_slice %arg7[%mul3A_248] : memref<10000xi32, #tpu.memory_space<vmem>> -> memref<40xi32, #tpu.memory_space<vmem>>
      %dma_start3A_253 = arith.constant 0 : i32
      %dma_start3A_254 = arith.constant 0 : i32
      %dma_start3A_255 = tpu.memref_slice %arg8[%dma_start3A_253, %dma_start3A_254] : memref<10000x128xf32, #tpu.memory_space<vmem_shared>> -> memref<10000x128xf32, #tpu.memory_space<vmem_shared>>
      tpu.enqueue_indirect_dma source(%dma_start3A_251 : memref<40x128xf32, #tpu.memory_space<vmem>>) target(%dma_start3A_255 : memref<10000x128xf32, #tpu.memory_space<vmem_shared>>) offsets(%dma_start3A_252 : memref<40xi32, #tpu.memory_space<vmem>>) semaphore(%arg11 : memref<!tpu.dma_semaphore, #tpu.memory_space<semaphore_mem>>) {add = true}
      %dma_wait3A_256 = arith.constant 0 : i32
      %dma_wait3A_257 = arith.constant 0 : i32
      %dma_wait3A_258 = tpu.memref_slice %arg6[%dma_wait3A_256, %dma_wait3A_257] : memref<160x128xf32, #tpu.memory_space<vmem>> -> memref<40x128xf32, #tpu.memory_space<vmem>>
      %dma_wait3A_259 = tpu.memref_slice %arg7[%mul3A_209] : memref<10000xi32, #tpu.memory_space<vmem>> -> memref<40xi32, #tpu.memory_space<vmem>>
      %dma_wait3A_260 = arith.constant 0 : i32
      %dma_wait3A_261 = arith.constant 0 : i32
      %dma_wait3A_262 = tpu.memref_slice %arg8[%dma_wait3A_260, %dma_wait3A_261] : memref<10000x128xf32, #tpu.memory_space<vmem_shared>> -> memref<10000x128xf32, #tpu.memory_space<vmem_shared>>
      tpu.wait_indirect_dma semaphore(%arg11 : memref<!tpu.dma_semaphore, #tpu.memory_space<semaphore_mem>>) src(%dma_wait3A_258 : memref<40x128xf32, #tpu.memory_space<vmem>>) dst(%dma_wait3A_262 : memref<10000x128xf32, #tpu.memory_space<vmem_shared>>)
      %dma_wait3A_263 = arith.constant 40 : i32
      %dma_wait3A_264 = arith.constant 0 : i32
      %dma_wait3A_265 = tpu.memref_slice %arg6[%dma_wait3A_263, %dma_wait3A_264] : memref<160x128xf32, #tpu.memory_space<vmem>> -> memref<40x128xf32, #tpu.memory_space<vmem>>
      %dma_wait3A_266 = tpu.memref_slice %arg7[%mul3A_222] : memref<10000xi32, #tpu.memory_space<vmem>> -> memref<40xi32, #tpu.memory_space<vmem>>
      %dma_wait3A_267 = arith.constant 0 : i32
      %dma_wait3A_268 = arith.constant 0 : i32
      %dma_wait3A_269 = tpu.memref_slice %arg8[%dma_wait3A_267, %dma_wait3A_268] : memref<10000x128xf32, #tpu.memory_space<vmem_shared>> -> memref<10000x128xf32, #tpu.memory_space<vmem_shared>>
      tpu.wait_indirect_dma semaphore(%arg11 : memref<!tpu.dma_semaphore, #tpu.memory_space<semaphore_mem>>) src(%dma_wait3A_265 : memref<40x128xf32, #tpu.memory_space<vmem>>) dst(%dma_wait3A_269 : memref<10000x128xf32, #tpu.memory_space<vmem_shared>>)
      %dma_wait3A_270 = arith.constant 80 : i32
      %dma_wait3A_271 = arith.constant 0 : i32
      %dma_wait3A_272 = tpu.memref_slice %arg6[%dma_wait3A_270, %dma_wait3A_271] : memref<160x128xf32, #tpu.memory_space<vmem>> -> memref<40x128xf32, #tpu.memory_space<vmem>>
      %dma_wait3A_273 = tpu.memref_slice %arg7[%mul3A_235] : memref<10000xi32, #tpu.memory_space<vmem>> -> memref<40xi32, #tpu.memory_space<vmem>>
      %dma_wait3A_274 = arith.constant 0 : i32
      %dma_wait3A_275 = arith.constant 0 : i32
      %dma_wait3A_276 = tpu.memref_slice %arg8[%dma_wait3A_274, %dma_wait3A_275] : memref<10000x128xf32, #tpu.memory_space<vmem_shared>> -> memref<10000x128xf32, #tpu.memory_space<vmem_shared>>
      tpu.wait_indirect_dma semaphore(%arg11 : memref<!tpu.dma_semaphore, #tpu.memory_space<semaphore_mem>>) src(%dma_wait3A_272 : memref<40x128xf32, #tpu.memory_space<vmem>>) dst(%dma_wait3A_276 : memref<10000x128xf32, #tpu.memory_space<vmem_shared>>)
      %dma_wait3A_277 = arith.constant 120 : i32
      %dma_wait3A_278 = arith.constant 0 : i32
      %dma_wait3A_279 = tpu.memref_slice %arg6[%dma_wait3A_277, %dma_wait3A_278] : memref<160x128xf32, #tpu.memory_space<vmem>> -> memref<40x128xf32, #tpu.memory_space<vmem>>
      %dma_wait3A_280 = tpu.memref_slice %arg7[%mul3A_248] : memref<10000xi32, #tpu.memory_space<vmem>> -> memref<40xi32, #tpu.memory_space<vmem>>
      %dma_wait3A_281 = arith.constant 0 : i32
      %dma_wait3A_282 = arith.constant 0 : i32
      %dma_wait3A_283 = tpu.memref_slice %arg8[%dma_wait3A_281, %dma_wait3A_282] : memref<10000x128xf32, #tpu.memory_space<vmem_shared>> -> memref<10000x128xf32, #tpu.memory_space<vmem_shared>>
      tpu.wait_indirect_dma semaphore(%arg11 : memref<!tpu.dma_semaphore, #tpu.memory_space<semaphore_mem>>) src(%dma_wait3A_279 : memref<40x128xf32, #tpu.memory_space<vmem>>) dst(%dma_wait3A_283 : memref<10000x128xf32, #tpu.memory_space<vmem_shared>>)
      %lt3A_284 = arith.constant 30 : i32
      %lt3A_285 = arith.cmpi slt, %scan3A_102, %lt3A_284 : i32
      %convert_element_type3A_286 = arith.extui %lt3A_285 : i1 to i32
      %cond3A_287 = arith.constant 0 : i32
      %cond3A_288 = arith.cmpi ne, %convert_element_type3A_286, %cond3A_287 : i32
      scf.if %cond3A_288 {
        %add3A_289 = arith.constant 2 : i32
        %add3A_290 = arith.addi %add3A_199, %add3A_289 : i32
        %mul3A_291 = arith.constant 160 : i32
        %mul3A_292 = arith.muli %add3A_290, %mul3A_291 : i32
        %add3A_293 = arith.addi %mul3A_2, %mul3A_292 : i32
        %dma_start3A_294 = arith.constant 0 : i32
        %dma_start3A_295 = tpu.memref_slice %arg2[%add3A_293, %dma_start3A_294] : memref<320000x128xf32, #tpu.memory_space<hbm>> -> memref<160x128xf32, #tpu.memory_space<hbm>>
        %dma_start3A_296 = arith.constant 0 : i32
        %dma_start3A_297 = tpu.memref_slice %arg2[%add3A_293, %dma_start3A_296] : memref<320000x128xf32, #tpu.memory_space<hbm>> -> memref<160x128xf32, #tpu.memory_space<hbm>>
        tpu.enqueue_dma source(%dma_start3A_297 : memref<160x128xf32, #tpu.memory_space<hbm>>) target(%arg6 : memref<160x128xf32, #tpu.memory_space<vmem>>) target_semaphore(%arg10 : memref<!tpu.dma_semaphore, #tpu.memory_space<semaphore_mem>>)
      } else {
      }
    }
    %scan3A_36 = arith.constant 31 : i32
    %add3A_37 = arith.constant 9920 : i32
    %add3A_38 = arith.addi %mul3A_2, %add3A_37 : i32
    %dma_start3A_39 = arith.constant 0 : i32
    %dma_start3A_40 = arith.constant 0 : i32
    %dma_start3A_41 = tpu.memref_slice %arg5[%dma_start3A_39, %dma_start3A_40] : memref<160x128xf32, #tpu.memory_space<vmem>> -> memref<80x128xf32, #tpu.memory_space<vmem>>
    %dma_start3A_42 = arith.constant 0 : i32
    %dma_start3A_43 = tpu.memref_slice %arg2[%add3A_38, %dma_start3A_42] : memref<320000x128xf32, #tpu.memory_space<hbm>> -> memref<80x128xf32, #tpu.memory_space<hbm>>
    %dma_start3A_44 = arith.constant 0 : i32
    %dma_start3A_45 = arith.constant 0 : i32
    %dma_start3A_46 = tpu.memref_slice %arg5[%dma_start3A_44, %dma_start3A_45] : memref<160x128xf32, #tpu.memory_space<vmem>> -> memref<80x128xf32, #tpu.memory_space<vmem>>
    %dma_start3A_47 = arith.constant 0 : i32
    %dma_start3A_48 = tpu.memref_slice %arg2[%add3A_38, %dma_start3A_47] : memref<320000x128xf32, #tpu.memory_space<hbm>> -> memref<80x128xf32, #tpu.memory_space<hbm>>
    tpu.enqueue_dma source(%dma_start3A_48 : memref<80x128xf32, #tpu.memory_space<hbm>>) target(%dma_start3A_46 : memref<80x128xf32, #tpu.memory_space<vmem>>) target_semaphore(%arg9 : memref<!tpu.dma_semaphore, #tpu.memory_space<semaphore_mem>>)
    %dma_wait3A = arith.constant 0 : i32
    %dma_wait3A_49 = arith.constant 0 : i32
    %dma_wait3A_50 = tpu.memref_slice %arg5[%dma_wait3A, %dma_wait3A_49] : memref<160x128xf32, #tpu.memory_space<vmem>> -> memref<80x128xf32, #tpu.memory_space<vmem>>
    %dma_wait3A_51 = arith.constant 0 : i32
    %dma_wait3A_52 = tpu.memref_slice %arg2[%add3A_38, %dma_wait3A_51] : memref<320000x128xf32, #tpu.memory_space<hbm>> -> memref<80x128xf32, #tpu.memory_space<hbm>>
    %dma_wait3A_53 = arith.constant 0 : i32
    %dma_wait3A_54 = arith.constant 0 : i32
    %dma_wait3A_55 = tpu.memref_slice %arg5[%dma_wait3A_53, %dma_wait3A_54] : memref<160x128xf32, #tpu.memory_space<vmem>> -> memref<80x128xf32, #tpu.memory_space<vmem>>
    %dma_wait3A_56 = arith.constant 0 : i32
    %dma_wait3A_57 = tpu.memref_slice %arg2[%add3A_38, %dma_wait3A_56] : memref<320000x128xf32, #tpu.memory_space<hbm>> -> memref<80x128xf32, #tpu.memory_space<hbm>>
    tpu.wait_dma2 semaphore(%arg9 : memref<!tpu.dma_semaphore, #tpu.memory_space<semaphore_mem>>) src(%dma_wait3A_57 : memref<80x128xf32, #tpu.memory_space<hbm>>) dst(%dma_wait3A_55 : memref<80x128xf32, #tpu.memory_space<vmem>>)
    %dma_start3A_58 = arith.constant 0 : i32
    %dma_start3A_59 = arith.constant 0 : i32
    %dma_start3A_60 = tpu.memref_slice %arg5[%dma_start3A_58, %dma_start3A_59] : memref<160x128xf32, #tpu.memory_space<vmem>> -> memref<40x128xf32, #tpu.memory_space<vmem>>
    %dma_start3A_61 = arith.constant 9920 : i32
    %dma_start3A_62 = tpu.memref_slice %arg7[%dma_start3A_61] : memref<10000xi32, #tpu.memory_space<vmem>> -> memref<40xi32, #tpu.memory_space<vmem>>
    %dma_start3A_63 = arith.constant 0 : i32
    %dma_start3A_64 = arith.constant 0 : i32
    %dma_start3A_65 = tpu.memref_slice %arg8[%dma_start3A_63, %dma_start3A_64] : memref<10000x128xf32, #tpu.memory_space<vmem_shared>> -> memref<10000x128xf32, #tpu.memory_space<vmem_shared>>
    tpu.enqueue_indirect_dma source(%dma_start3A_60 : memref<40x128xf32, #tpu.memory_space<vmem>>) target(%dma_start3A_65 : memref<10000x128xf32, #tpu.memory_space<vmem_shared>>) offsets(%dma_start3A_62 : memref<40xi32, #tpu.memory_space<vmem>>) semaphore(%arg11 : memref<!tpu.dma_semaphore, #tpu.memory_space<semaphore_mem>>) {add = true}
    %dma_start3A_66 = arith.constant 40 : i32
    %dma_start3A_67 = arith.constant 0 : i32
    %dma_start3A_68 = tpu.memref_slice %arg5[%dma_start3A_66, %dma_start3A_67] : memref<160x128xf32, #tpu.memory_space<vmem>> -> memref<40x128xf32, #tpu.memory_space<vmem>>
    %dma_start3A_69 = arith.constant 9960 : i32
    %dma_start3A_70 = tpu.memref_slice %arg7[%dma_start3A_69] : memref<10000xi32, #tpu.memory_space<vmem>> -> memref<40xi32, #tpu.memory_space<vmem>>
    %dma_start3A_71 = arith.constant 0 : i32
    %dma_start3A_72 = arith.constant 0 : i32
    %dma_start3A_73 = tpu.memref_slice %arg8[%dma_start3A_71, %dma_start3A_72] : memref<10000x128xf32, #tpu.memory_space<vmem_shared>> -> memref<10000x128xf32, #tpu.memory_space<vmem_shared>>
    tpu.enqueue_indirect_dma source(%dma_start3A_68 : memref<40x128xf32, #tpu.memory_space<vmem>>) target(%dma_start3A_73 : memref<10000x128xf32, #tpu.memory_space<vmem_shared>>) offsets(%dma_start3A_70 : memref<40xi32, #tpu.memory_space<vmem>>) semaphore(%arg11 : memref<!tpu.dma_semaphore, #tpu.memory_space<semaphore_mem>>) {add = true}
    %dma_wait3A_74 = arith.constant 0 : i32
    %dma_wait3A_75 = arith.constant 0 : i32
    %dma_wait3A_76 = tpu.memref_slice %arg5[%dma_wait3A_74, %dma_wait3A_75] : memref<160x128xf32, #tpu.memory_space<vmem>> -> memref<40x128xf32, #tpu.memory_space<vmem>>
    %dma_wait3A_77 = arith.constant 9920 : i32
    %dma_wait3A_78 = tpu.memref_slice %arg7[%dma_wait3A_77] : memref<10000xi32, #tpu.memory_space<vmem>> -> memref<40xi32, #tpu.memory_space<vmem>>
    %dma_wait3A_79 = arith.constant 0 : i32
    %dma_wait3A_80 = arith.constant 0 : i32
    %dma_wait3A_81 = tpu.memref_slice %arg8[%dma_wait3A_79, %dma_wait3A_80] : memref<10000x128xf32, #tpu.memory_space<vmem_shared>> -> memref<10000x128xf32, #tpu.memory_space<vmem_shared>>
    tpu.wait_indirect_dma semaphore(%arg11 : memref<!tpu.dma_semaphore, #tpu.memory_space<semaphore_mem>>) src(%dma_wait3A_76 : memref<40x128xf32, #tpu.memory_space<vmem>>) dst(%dma_wait3A_81 : memref<10000x128xf32, #tpu.memory_space<vmem_shared>>)
    %dma_wait3A_82 = arith.constant 40 : i32
    %dma_wait3A_83 = arith.constant 0 : i32
    %dma_wait3A_84 = tpu.memref_slice %arg5[%dma_wait3A_82, %dma_wait3A_83] : memref<160x128xf32, #tpu.memory_space<vmem>> -> memref<40x128xf32, #tpu.memory_space<vmem>>
    %dma_wait3A_85 = arith.constant 9960 : i32
    %dma_wait3A_86 = tpu.memref_slice %arg7[%dma_wait3A_85] : memref<10000xi32, #tpu.memory_space<vmem>> -> memref<40xi32, #tpu.memory_space<vmem>>
    %dma_wait3A_87 = arith.constant 0 : i32
    %dma_wait3A_88 = arith.constant 0 : i32
    %dma_wait3A_89 = tpu.memref_slice %arg8[%dma_wait3A_87, %dma_wait3A_88] : memref<10000x128xf32, #tpu.memory_space<vmem_shared>> -> memref<10000x128xf32, #tpu.memory_space<vmem_shared>>
    tpu.wait_indirect_dma semaphore(%arg11 : memref<!tpu.dma_semaphore, #tpu.memory_space<semaphore_mem>>) src(%dma_wait3A_84 : memref<40x128xf32, #tpu.memory_space<vmem>>) dst(%dma_wait3A_89 : memref<10000x128xf32, #tpu.memory_space<vmem_shared>>)
    %barrier3A_90 = arith.constant 0 : index
    tpu.barrier barrier_id(%barrier3A_90)
    %mul3A_91 = arith.constant 624 : i32
    %mul3A_92 = arith.muli %arg1, %mul3A_91 : i32
    %lt3A = arith.constant 15 : i32
    %lt3A_93 = arith.cmpi slt, %arg1, %lt3A : i32
    %convert_element_type3A_94 = arith.extui %lt3A_93 : i1 to i32
    %cond3A_95 = arith.constant 0 : i32
    %cond3A_96 = arith.cmpi ne, %convert_element_type3A_94, %cond3A_95 : i32
    scf.if %cond3A_96 {
      "tpu.region"() ({
        %run_scoped3A = tpu.sem_alloc : memref<!tpu.dma_semaphore, #tpu.memory_space<semaphore_mem>>
        %dma_start3A_102 = arith.constant 0 : i32
        %dma_start3A_103 = tpu.memref_slice %arg4[%arg0, %mul3A_92, %dma_start3A_102] : memref<2x10000x128xf32, #tpu.memory_space<hbm>> -> memref<1x624x128xf32, #tpu.memory_space<hbm>>
        %dma_start3A_104 = tpu.memref_squeeze %dma_start3A_103 : memref<1x624x128xf32, #tpu.memory_space<hbm>> -> memref<624x128xf32, #tpu.memory_space<hbm>>
        %dma_start3A_105 = arith.constant 0 : i32
        %dma_start3A_106 = tpu.memref_slice %arg8[%mul3A_92, %dma_start3A_105] : memref<10000x128xf32, #tpu.memory_space<vmem_shared>> -> memref<624x128xf32, #tpu.memory_space<vmem_shared>>
        tpu.enqueue_dma source(%dma_start3A_106 : memref<624x128xf32, #tpu.memory_space<vmem_shared>>) target(%dma_start3A_104 : memref<624x128xf32, #tpu.memory_space<hbm>>) target_semaphore(%run_scoped3A : memref<!tpu.dma_semaphore, #tpu.memory_space<semaphore_mem>>)
        %dma_wait3A_107 = arith.constant 0 : i32
        %dma_wait3A_108 = tpu.memref_slice %arg4[%arg0, %mul3A_92, %dma_wait3A_107] : memref<2x10000x128xf32, #tpu.memory_space<hbm>> -> memref<1x624x128xf32, #tpu.memory_space<hbm>>
        %dma_wait3A_109 = tpu.memref_squeeze %dma_wait3A_108 : memref<1x624x128xf32, #tpu.memory_space<hbm>> -> memref<624x128xf32, #tpu.memory_space<hbm>>
        %dma_wait3A_110 = arith.constant 0 : i32
        %dma_wait3A_111 = tpu.memref_slice %arg8[%mul3A_92, %dma_wait3A_110] : memref<10000x128xf32, #tpu.memory_space<vmem_shared>> -> memref<624x128xf32, #tpu.memory_space<vmem_shared>>
        tpu.wait_dma2 semaphore(%run_scoped3A : memref<!tpu.dma_semaphore, #tpu.memory_space<semaphore_mem>>) src(%dma_wait3A_111 : memref<624x128xf32, #tpu.memory_space<vmem_shared>>) dst(%dma_wait3A_109 : memref<624x128xf32, #tpu.memory_space<hbm>>)
        tpu.yield
      }) : () -> ()
    } else {
    }
    %eq3A_97 = arith.constant 15 : i32
    %eq3A_98 = arith.cmpi eq, %arg1, %eq3A_97 : i32
    %convert_element_type3A_99 = arith.extui %eq3A_98 : i1 to i32
    %cond3A_100 = arith.constant 0 : i32
    %cond3A_101 = arith.cmpi ne, %convert_element_type3A_99, %cond3A_100 : i32
    scf.if %cond3A_101 {
      "tpu.region"() ({
        %run_scoped3A = tpu.sem_alloc : memref<!tpu.dma_semaphore, #tpu.memory_space<semaphore_mem>>
        %dma_start3A_102 = arith.constant 9360 : i32
        %dma_start3A_103 = arith.constant 0 : i32
        %dma_start3A_104 = tpu.memref_slice %arg4[%arg0, %dma_start3A_102, %dma_start3A_103] : memref<2x10000x128xf32, #tpu.memory_space<hbm>> -> memref<1x640x128xf32, #tpu.memory_space<hbm>>
        %dma_start3A_105 = tpu.memref_squeeze %dma_start3A_104 : memref<1x640x128xf32, #tpu.memory_space<hbm>> -> memref<640x128xf32, #tpu.memory_space<hbm>>
        %dma_start3A_106 = arith.constant 9360 : i32
        %dma_start3A_107 = arith.constant 0 : i32
        %dma_start3A_108 = tpu.memref_slice %arg8[%dma_start3A_106, %dma_start3A_107] : memref<10000x128xf32, #tpu.memory_space<vmem_shared>> -> memref<640x128xf32, #tpu.memory_space<vmem_shared>>
        tpu.enqueue_dma source(%dma_start3A_108 : memref<640x128xf32, #tpu.memory_space<vmem_shared>>) target(%dma_start3A_105 : memref<640x128xf32, #tpu.memory_space<hbm>>) target_semaphore(%run_scoped3A : memref<!tpu.dma_semaphore, #tpu.memory_space<semaphore_mem>>)
        %dma_wait3A_109 = arith.constant 9360 : i32
        %dma_wait3A_110 = arith.constant 0 : i32
        %dma_wait3A_111 = tpu.memref_slice %arg4[%arg0, %dma_wait3A_109, %dma_wait3A_110] : memref<2x10000x128xf32, #tpu.memory_space<hbm>> -> memref<1x640x128xf32, #tpu.memory_space<hbm>>
        %dma_wait3A_112 = tpu.memref_squeeze %dma_wait3A_111 : memref<1x640x128xf32, #tpu.memory_space<hbm>> -> memref<640x128xf32, #tpu.memory_space<hbm>>
        %dma_wait3A_113 = arith.constant 9360 : i32
        %dma_wait3A_114 = arith.constant 0 : i32
        %dma_wait3A_115 = tpu.memref_slice %arg8[%dma_wait3A_113, %dma_wait3A_114] : memref<10000x128xf32, #tpu.memory_space<vmem_shared>> -> memref<640x128xf32, #tpu.memory_space<vmem_shared>>
        tpu.wait_dma2 semaphore(%run_scoped3A : memref<!tpu.dma_semaphore, #tpu.memory_space<semaphore_mem>>) src(%dma_wait3A_115 : memref<640x128xf32, #tpu.memory_space<vmem_shared>>) dst(%dma_wait3A_112 : memref<640x128xf32, #tpu.memory_space<hbm>>)
        tpu.yield
      }) : () -> ()
    } else {
    }
    return
  }
}

module attributes {stable_mosaic.version = 14 : i64} {
  func.func @_add_body(%arg0: i32, %arg1: memref<1x5000x128xf32, #tpu.memory_space<vmem>>, %arg2: memref<1x5000x128xf32, #tpu.memory_space<vmem>>, %arg3: memref<5000x128xf32, #tpu.memory_space<vmem>>) attributes {dimension_semantics = [#tpu.dimension_semantics<arbitrary>], iteration_bounds = array<i64: 2>, scalar_prefetch = 0 : i64, scratch_operands = 0 : i64, tpu.core_type = #tpu.core_type<tc>, window_params = [{transform_indices = @transform_0, window_bounds = array<i64: 1, 5000, 128>}, {transform_indices = @transform_1, window_bounds = array<i64: 1, 5000, 128>}, {transform_indices = @transform_2, window_bounds = array<i64: 5000, 128>}]} {
    %get3A = arith.constant 0 : index
    %get3A_0 = arith.constant 0 : index
    %get3A_1 = arith.constant 0 : index
    %get3A_2 = vector.load %arg1[%get3A, %get3A_0, %get3A_1] : memref<1x5000x128xf32, #tpu.memory_space<vmem>>, vector<1x5000x128xf32>
    %get3A_3 = vector.shape_cast %get3A_2 : vector<1x5000x128xf32> to vector<5000x128xf32>
    %get3A_4 = arith.constant 0 : index
    %get3A_5 = arith.constant 0 : index
    %get3A_6 = arith.constant 0 : index
    %get3A_7 = vector.load %arg2[%get3A_4, %get3A_5, %get3A_6] : memref<1x5000x128xf32, #tpu.memory_space<vmem>>, vector<1x5000x128xf32>
    %get3A_8 = vector.shape_cast %get3A_7 : vector<1x5000x128xf32> to vector<5000x128xf32>
    %add3A = arith.addf %get3A_3, %get3A_8 : vector<5000x128xf32>
    %swap3A = arith.constant 0 : index
    %swap3A_9 = arith.constant 0 : index
    %swap3A_10 = vector.load %arg3[%swap3A, %swap3A_9] : memref<5000x128xf32, #tpu.memory_space<vmem>>, vector<5000x128xf32>
    tpu.vector_store %arg3[%swap3A, %swap3A_9], %add3A {strides = array<i32>} : memref<5000x128xf32, #tpu.memory_space<vmem>>, vector<5000x128xf32>,
    return
  }
  func.func @transform_0(%arg0: i32) -> (i32, i32, i32) {
    %c0_i32 = arith.constant 0 : i32
    %c0_i32_0 = arith.constant 0 : i32
    %c0_i32_1 = arith.constant 0 : i32
    return %c0_i32, %arg0, %c0_i32_0 : i32, i32, i32
  }
  func.func @transform_1(%arg0: i32) -> (i32, i32, i32) {
    %c1_i32 = arith.constant 1 : i32
    %c0_i32 = arith.constant 0 : i32
    %c0_i32_0 = arith.constant 0 : i32
    return %c1_i32, %arg0, %c0_i32 : i32, i32, i32
  }
  func.func @transform_2(%arg0: i32) -> (i32, i32) {
    %c0_i32 = arith.constant 0 : i32
    %c0_i32_0 = arith.constant 0 : i32
    return %arg0, %c0_i32 : i32, i32
  }
}

</mosaic_0001>

<sc_bundles>
// kernel: kernel.4.cloned.1.call-start
scs
__scs_entry_jumppad:
0x0: {  	(pc) =	sbr.rel $0x88, $3  }
0x1: {  	(tag) =	ssettag $0x0;
	lr =	simm.s32 $0x1  }
0x2: {  	[smem:$0x3F9F] =	sst lr;
	_ =	strace $0xD0000000  }
0x3: {  	_ = 	snop  }
0x4: {  	_ = 	snop  }
0x5: {  	_ = 	snop  }
0x6: {  	_ = 	snop  }
0x7: {  	_ = 	snop  }
__scs_overlays_trampoline_lowered:
0x8: {  	[smem:$0x3FAE] =	sst s0  }
0x9: {  	[smem:$0x3FAF] =	sst s1  }
0xa: {  	[smem:$0x3FB0] =	sst s2  }
0xb: {  	[smem:$0x3FB1] =	sst s3  }
0xc: {  	[smem:$0x3FB2] =	sst s4  }
0xd: {  	[smem:$0x3FB3] =	sst s5  }
0xe: {  	[smem:$0x3FB4] =	sst s6  }
0xf: {  	[smem:$0x3FB5] =	sst s7  }
0x10: {  	[smem:$0x3FB6] =	sst s8  }
0x11: {  	[smem:$0x3FB7] =	sst s9;
	s0 =	simm.s32 @!p0 $0x0  }
0x12: {  	s1 =	sld [smem:$0x3F9D];
	s0 =	simm.s32 @p0 $0x1  }
0x13: {  	[smem:$0x3FB8] =	sst s0;
	s0 =	simm.s32 @!p1 $0x0  }
0x14: {  	s2 =	sld [smem:$0x3F9C];
	s0 =	simm.s32 @p1 $0x1  }
0x15: {  	[smem:$0x3FB9] =	sst s0;
	s0 =	simm.s32 @!p2 $0x0  }
0x16: {  	s3 =	sld [smem:$0x3FDB];
	s0 =	simm.s32 @p2 $0x1  }
0x17: {  	s4 =	simm.s32 $0x1BF5;
	[smem:$0x3FBB] =	sst s0  }
0x18: {  	s0 =	sld [smem:$0x3F9E];
	_ =	swait.ge [sflag:s4], $0x0  }
0x19: {  	s7 =	sld [smem:$0x3F9F]  }
0x1a: {  	s8 =	sadd.s32 $0xFFFFE003, lr  }
0x1b: {  	s9 =	sadd.s32 $0xFFFFFEF7, lr;
	s5 =	simm.s32 $0xFFFFFFFF;
	p2 =	slt.u32 s8, $0xFFFFF086  }
0x1c: {  	p1 =	slt.u32 s9, $0xF7A;
	s5 =	simm.s32 @!p2 $0x0  }
0x1d: {  	s5 =	simm.s32 @p1 $0x1;
	p0 =	seq.s32 s7, s2  }
0x1e: {  	s7 =	smul.u32 @!p0 $0xF7A, s2;
	p2 =	seq.s32 @!p0 s5, $0x0  }
0x1f: {  	s9 =	smul.u32 $0xF7A, s1;
	s8 =	simm.s32 @!p0 $0x1BF5;
	p2 =	por !p2, p0  }
0x20: {  	[sflag:s8] =	ssyncset.s32 @!p0 $0xFFFFF086;
	s6 =	sadd.s32 @!p0 s3, s7;
	s7 =	simm.s32 @!p0 $0x108  }
0x21: {  	s3 =	sadd.s32 s3, s9;
	s6 =	sadd.s32 @!p0 $0x88, s6;
	s7 =	simm.s32 @p2 $0x1082  }
0x22: {  	[simem:s7], [sflag:s8] =	dma.local @!p0 [hbm:s6], $0xF7A  }
0x23: {  	s9 =	sor.u32 $0xD0000000, s2;
	s6 =	simm.s32 $0x108;
	_ =	swait.ge @!p0 [sflag:s8], $0x0  }
0x24: {  	s3 =	sadd.s32 $0x88, s3;
	s6 =	simm.s32 @!p1 $0x1082;
	[sflag:s4] =	ssyncset.s32 $0xFFFFF086  }
0x25: {  	[simem:s6], [sflag:s4] =	dma.local [hbm:s3], $0xF7A  }
0x26: {  	[smem:$0x3F9F] =	sst s1;
	(tag) =	ssettag s2;
	_ =	strace s9  }
0x27: {  	s1 =	sld [smem:$0x3FAF]  }
0x28: {  	s2 =	sld [smem:$0x3FB0]  }
0x29: {  	s4 =	sld [smem:$0x3FB2]  }
0x2a: {  	p0 =	seq.s32 s5, $0x0;
	s5 =	sld [smem:$0x3FB3]  }
0x2b: {  	s6 =	sld [smem:$0x3FB4]  }
0x2c: {  	s7 =	sld [smem:$0x3FB5]  }
0x2d: {  	s3 =	simm.s32 $0x108;
	s8 =	sld [smem:$0x3FB6]  }
0x2e: {  	s3 =	simm.s32 @!p0 $0x1082;
	s9 =	sld [smem:$0x3FB7]  }
0x2f: {  	lr =	sadd.s32 s0, s3;
	s0 =	sld [smem:$0x3FAE]  }
0x30: {  	s3 =	sld [smem:$0x3FB1]  }
0x31: {  	[smem:$0x3FBA] =	sst s10  }
0x32: {  	s10 =	sld [smem:$0x3FB8];
	_ =	sdelay $0x3  }
0x33: {  	p0 =	seq.s32 s10, $0x1;
	s10 =	sld [smem:$0x3FBA];
	_ =	sdelay $0x3  }
0x34: {  	[smem:$0x3FBA] =	sst s10  }
0x35: {  	s10 =	sld [smem:$0x3FB9];
	_ =	sdelay $0x3  }
0x36: {  	p1 =	seq.s32 s10, $0x1;
	s10 =	sld [smem:$0x3FBA];
	_ =	sdelay $0x3  }
0x37: {  	[smem:$0x3FBA] =	sst s10  }
0x38: {  	s10 =	sld [smem:$0x3FBB]  }
0x39: {  	_ = 	snop;
	(pc) =	sbr.ind lr, $3  }
0x3a: {  	_ = 	snop  }
0x3b: {  	_ = 	snop  }
0x3c: {  	p2 =	seq.s32 s10, $0x1;
	s10 =	sld [smem:$0x3FBA]  }
0x3d: {  	_ =	shalt  }
0x3e: {  	_ =	shalt  }
0x3f: {  	_ =	shalt  }
0x40: {  	_ =	shalt  }
0x41: {  	_ =	shalt  }
0x42: {  	_ =	shalt  }
0x43: {  	_ =	shalt  }
0x44: {  	_ =	shalt  }
0x45: {  	_ =	shalt  }
0x46: {  	_ =	shalt  }
0x47: {  	_ =	shalt  }
0x48: {  	_ =	shalt  }
0x49: {  	_ =	shalt  }
0x4a: {  	_ =	shalt  }
0x4b: {  	_ =	shalt  }
0x4c: {  	_ =	shalt  }
0x4d: {  	_ =	shalt  }
0x4e: {  	_ =	shalt  }
0x4f: {  	_ =	shalt  }
0x50: {  	_ =	shalt  }
0x51: {  	_ =	shalt  }
0x52: {  	_ =	shalt  }
0x53: {  	_ =	shalt  }
0x54: {  	_ =	shalt  }
0x55: {  	_ =	shalt  }
0x56: {  	_ =	shalt  }
0x57: {  	_ =	shalt  }
0x58: {  	_ =	shalt  }
0x59: {  	_ =	shalt  }
0x5a: {  	_ =	shalt  }
0x5b: {  	_ =	shalt  }
0x5c: {  	_ =	shalt  }
0x5d: {  	_ =	shalt  }
0x5e: {  	_ =	shalt  }
0x5f: {  	_ =	shalt  }
0x60: {  	_ =	shalt  }
0x61: {  	_ =	shalt  }
0x62: {  	_ =	shalt  }
0x63: {  	_ =	shalt  }
0x64: {  	_ =	shalt  }
0x65: {  	_ =	shalt  }
0x66: {  	_ =	shalt  }
0x67: {  	_ =	shalt  }
0x68: {  	_ =	shalt  }
0x69: {  	_ =	shalt  }
0x6a: {  	_ =	shalt  }
0x6b: {  	_ =	shalt  }
0x6c: {  	_ =	shalt  }
0x6d: {  	_ =	shalt  }
0x6e: {  	_ =	shalt  }
0x6f: {  	_ =	shalt  }
0x70: {  	_ =	shalt  }
0x71: {  	_ =	shalt  }
0x72: {  	_ =	shalt  }
0x73: {  	_ =	shalt  }
0x74: {  	_ =	shalt  }
0x75: {  	_ =	shalt  }
0x76: {  	_ =	shalt  }
0x77: {  	_ =	shalt  }
0x78: {  	_ =	shalt  }
0x79: {  	_ =	shalt  }
0x7a: {  	_ =	shalt  }
0x7b: {  	_ =	shalt  }
0x7c: {  	_ =	shalt  }
0x7d: {  	_ =	shalt  }
0x7e: {  	_ =	shalt  }
0x7f: {  	_ =	shalt  }
0x80: {  	_ =	shalt  }
0x81: {  	_ =	shalt  }
0x82: {  	_ =	shalt  }
0x83: {  	_ =	shalt  }
0x84: {  	_ =	shalt  }
0x85: {  	_ =	shalt  }
0x86: {  	_ =	shalt  }
0x87: {  	_ =	shalt  }
.Lfunc_end0:
.L_simem_size_0:
called_computation_lowered:
.L_overlay_start_0:
0x88: {  	s2 =	sld [smem:$0x3FD9]  }
0x89: {  	s3 =	sld [smem:$0x3FFE];
	_ =	sdelay $0x1  }
0x8a: {  	s1 =	srdreg.scid  }
0x8b: {  	s0 =	sand.u32 $0x1, s1  }
0x8c: {  	s17 =	sshll.u32 s0, $0xA;
	s2 =	sadd.s32 s3, s2  }
0x8d: {  	s2 =	sadd.s32 s2, s17  }
0x8e: {  	[smem:$0x3FC6] =	sst s2  }
0x8f: {  	_ = 	snop  }
0x90: {  	s2 =	sld [smem:$0x3FC9]  }
0x91: {  	s18 =	sld [smem:$0x3FC8];
	(tm) =	ssettm $0x1  }
0x92: {  	s4 =	sld [smem:$0x3FFB];
	_ =	sdelay $0x3  }
0x93: {  	_ =	strace s4  }
0x94: {  	s4 =	sld [smem:$0x3FFC];
	_ =	sdelay $0x3  }
0x95: {  	_ =	strace s4  }
0x96: {  	s4 =	sld [smem:$0x3FFD];
	_ =	sdelay $0x3  }
0x97: {  	_ =	strace s4  }
0x98: {  	_ =	strace $0x8FFFFFFF  }
0x99: {  	s19 =	sld [smem:$0x3FDB];
	_ =	sdelay $0x1  }
0x9a: {  	s5 =	simm.s32 $_scs_section_size  }
0x9b: {  	s6 =	simm.s32 $_size__tile_overlayer_lowered;
	s7 =	simm.s32 $_tile_overlayer_lowered  }
0x9c: {  	s22 =	simm.s32 $0x1BFF;
	s21 =	sshll.u32 s7, $0x1;
	s4 =	sadd.s32 s5, s19  }
0x9d: {  	s8 =	simm.s32 $0x0;
	s20 =	sshll.u32 s6, $0x1;
	s6 =	sadd.s32 s21, s4  }
0x9e: {  	[timem:s8], [sflag:s22] =	dma.local [hbm:s6], s20  }
0x9f: {  	_ =	swait.ge [sflag:s22], s20  }
0xa0: {  	s5 =	ssub.s32 $0x0, s20;
	[sflag:s22] =	ssyncset.done $0x0  }
0xa1: {  	[sflag:s22] =	ssyncadd.s32 s5;
	_ =	sdelay $0x1  }
0xa2: {  	s23 =	simm.s32 $0x1B8B  }
0xa3: {  	_ =	swait.ge [sflag:s23], $0x1  }
0xa4: {  	[sflag:s23] =	ssyncset.done $0x0  }
0xa5: {  	s25 =	simm.s32 $0x1B8E;
	s24 =	sld [smem:$0x3FFE];
	[sflag:s23] =	ssyncadd.s32 $0xFFFFFFFF  }
0xa6: {  	s26 =	simm.s32 $execute0_lowered;
	[smem:$0x3FD2] =	sst s25  }
0xa7: {  	s6 =	sshll.u32 s26, $0x1;
	_ =	strace $0x80000046;
	[dreg:$0x1] =	wrdreg $0xFFFFFFFF  }
0xa8: {  	s28 =	simm.s32 $_size_execute0_lowered;
	s4 =	sadd.s32 s4, s6;
	[dreg:$0x0] =	wrdreg $0x0  }
0xa9: {  	s6 =	sshll.u32 s28, $0x1;
	[dreg:$0x2] =	wrdreg s4  }
0xaa: {  	[dreg:$0x3] =	wrdreg s6  }
0xab: {  	[dreg:$0x4] =	wrdreg $0xC0  }
0xac: {  	_ =	task [dreg:s8], $0x5FFFF  }
0xad: {  	[dreg:$0x1] =	wrdreg $0xFFFFFFFF  }
0xae: {  	[dreg:$0x0] =	wrdreg $0x60  }
0xaf: {  	[dreg:$0x2] =	wrdreg s2  }
0xb0: {  	[dreg:$0x3] =	wrdreg s18  }
0xb1: {  	[dreg:$0x4] =	wrdreg s24  }
0xb2: {  	[dreg:$0x5] =	wrdreg $0xC7800  }
0xb3: {  	[dreg:$0x6] =	wrdreg $0x9  }
0xb4: {  	_ =	task.clear_ibuf [dreg:s8], $0x7FFFF;
	_ =	strace $0x90000046  }
0xb5: {  	s29 =	simm.s32 $0x9;
	_ =	strace $0x80000048  }
0xb6: {  	_ =	swait.ge [sflag:s29], $0x1  }
0xb7: {  	[sflag:s29] =	ssyncadd.s32 $0xFFFFFFFF  }
0xb8: {  	_ =	strace $0x90000048  }
0xb9: {  	_ =	sfence  }
0xba: {  	s30 =	sld [smem:$0x0];
	_ =	sdelay $0x2  }
0xbb: {  	s31 =	sshll.u32 s1, $0xD;
	s1 =	sshrl.u32 s1, $0x2  }
0xbc: {  	s3 =	sand.u32 $0x4000, s31;
	s1 =	sadd.s32 s1, s30  }
0xbd: {  	s0 =	sor.u32 s3, s0;
	s1 =	sshll.u32 s1, $0x11  }
0xbe: {  	s0 =	sor.u32 s1, s0  }
0xbf: {  	s0 =	sadd.s32 $0x8F2B, s0  }
0xc0: {  	[sflag:s0] =	ssyncadd.remote.s32 $0x1  }
0xc1: {  	_ =	sfence.sel $0xFFFF  }
0xc2: {  	[dreg:$0x0] =	wrdreg $0xFFFFFFFF;
	(pc) =	sbr.abs _section_cstart, $3  }
0xc3: {  	[dreg:$0x1] =	wrdreg $0xFFFFFFFF  }
0xc4: {  	_ =	task.clear_ibuf [dreg:s8], $0x2FFFF;
	_ =	strace $0x9FFFFFFF  }
0xc5: {  	(tm) =	ssettm $0x7FFFFFFF  }
tec
execute0_lowered:
.L_overlay_start_1:
0x0: {  	(tag) =	ssettag $0x1  }
0x1: {  	s0 =	rddreg [dreg:$0x0]  }
0x2: {  	s2 =	rddreg [dreg:$0x1]  }
0x3: {  	s4 =	rddreg [dreg:$0x2]  }
0x4: {  	s1 =	rddreg [dreg:$0x3]  }
0x5: {  	s3 =	simm.s32 $0x0;
	s5 =	srdreg.scid;
	s16 =	stileid.u32  }
0x6: {  	s28 =	simm.s32 $0x2;
	s29 =	simm.s32 $0x6400;
	s30 =	simm.s32 $0x7800  }
0x7: {  	s31 =	simm.s32 $0x8C00;
	[smem:$0x7FF] =	sst s3;
	s7 =	smul.u32 $0x4E000, s16  }
0x8: {  	s5 =	sand.u32 $0x1, s5;
	s11 =	sadd.s32 $0x600, s4;
	s14 =	smul.u32 $0x13800, s16  }
0x9: {  	s20 =	sadd.s32 $0x138000, s1;
	s26 =	smul.u32 $0x27100, s16;
	p0 =	sne.s32 s16, $0xF  }
0xa: {  	p1 =	seq.s32 s16, $0xF;
	_ =	strace $0x80000047;
	s6 =	sshll.u32 s5, $0x4  }
0xb: {  	s17 =	ssub.s32 $0x2, s5;
	[dreg:$0x6] =	wrdreg s20;
	s12 =	smul.u32 $0x138800, s5  }
0xc: {  	s5 =	smul.u32 $0x271000, s5;
	s20 =	simm.s32 $0x1;
	s6 =	sor.u32 s16, s6  }
0xd: {  	s8 =	sshrl.u32 s17, $0x1;
	s7 =	sshrl.u32 s7, $0x2;
	s9 =	smul.u32 $0x2710, s6  }
0xe: {  	s13 =	ssub.s32 s17, s8;
	s4 =	sadd.s32 s7, s1;
	s18 =	smul.u32 $0x138800, s6  }
0xf: {  	s6 =	smul.u32 $0x27100, s6;
	s24 =	sadd.s32 s14, s12;
	s25 =	sshrl.u32 s12, $0x3  }
0x10: {  	s17 =	simm.s32 $0x4;
	s19 =	sadd.s32 $0xF000, s4;
	s13 =	smax.u32 s13, $0x1  }
0x11: {  	s14 =	sadd.s32 $0x5000, s4;
	s15 =	sadd.s32 $0xA000, s4;
	[dreg:$0x5] =	wrdreg s19  }
0x12: {  	s21 =	sshrl.u32 s9, $0x3;
	s22 =	sshrl.u32 s18, $0x3;
	s8 =	sadd.s32 s0, s6  }
0x13: {  	s6 =	sadd.s32 s11, s25;
	s19 =	simm.s32 $0x5000;
	s18 =	simm.s32 $0x0  }
0x14: {  	s2 =	sadd.s32 s2, s21;
	s23 =	sadd.s32 s0, s22;
	s12 =	sadd.s32 $0x24900, s6  }
0x15: {  	s0 =	sadd.s32 s5, s0;
	s21 =	simm.s32 $0x28;
	s22 =	simm.s32 $0x1400  }
0x16: {  	[dreg:$0x7] =	wrdreg s2;
	s9 =	sadd.s32 $0xA00, s23;
	s10 =	sadd.s32 $0x26C00, s23  }
0x17: {  	s2 =	sshrl.u32 s24, $0x3;
	s0 =	sadd.s32 s26, s0;
	s23 =	simm.s32 $0x2800  }
0x18: {  	s24 =	simm.s32 $0x3C00;
	s11 =	sadd.s32 s11, s2;
	s2 =	sadd.s32 $0x124800, s1  }
0x19: {  	v0 =	vimm.f32 $0.0e+00;
	s26 =	simm.s32 $0x3;
	s5 =	sadd.s32 $0x1E00, s0;
	s25 =	sshrl.u32 @p1 s2, $0x3  }
.LBB2_1:
0x1a: {  	s0 =	simm.s32 $0x70;
	s2 =	simm.s32 $0x3C0  }
.LBB2_2:
0x1b: {  	p2 =	sne.s32 s2, $0x13FC0;
	[tilespmem:s0+$0x0] =	vst v0  }
0x1c: {  	[tilespmem:s0+$0xFFFFFF90] =	vst v0  }
0x1d: {  	[tilespmem:s0+$0xFFFFFFA0] =	vst v0  }
.Ltmp0:
0x1e: {  	[tilespmem:s0+$0xFFFFFFB0] =	vst v0;
	(pc) =	sbr.rel @p2 .LBB2_2-.Ltmp0, $4  }
0x1f: {  	[tilespmem:s0+$0xFFFFFFC0] =	vst v0  }
0x20: {  	[tilespmem:s0+$0xFFFFFFD0] =	vst v0  }
0x21: {  	[tilespmem:s0+$0xFFFFFFE0] =	vst v0  }
0x22: {  	[tilespmem:s0+$0xFFFFFFF0] =	vst v0;
	s0 =	sshra.s32 s2, $0x2;
	s2 =	sadd.s32 $0x200, s2  }
0x23: {  	[tilespmem:s0+$0x0] =	vst v0  }
0x24: {  	[tilespmem:s0+$0xFFFFFF90] =	vst v0  }
0x25: {  	[tilespmem:s0+$0xFFFFFFA0] =	vst v0  }
0x26: {  	[tilespmem:s0+$0xFFFFFFB0] =	vst v0  }
0x27: {  	[tilespmem:s0+$0xFFFFFFC0] =	vst v0  }
0x28: {  	[tilespmem:s0+$0xFFFFFFD0] =	vst v0  }
0x29: {  	[tilespmem:s0+$0xFFFFFFE0] =	vst v0  }
0x2a: {  	[tilespmem:s0+$0xFFFFFFF0] =	vst v0  }
0x2b: {  	[spmem:s4] =	stream.linear.scatter [tilespmem:s3], [sflag:$0x4], $0x5000, $0x38;
	v63 =	vld [tilespmem:$0x0]  }
0x2c: {  	_ =	swait.ge [sflag:s17], $0x5000  }
0x2d: {  	[sflag:s17] =	ssyncset.done $0x0  }
0x2e: {  	[sflag:s17] =	ssyncadd.s32 $0xFFFFB000  }
0x2f: {  	[spmem:s14] =	stream.linear.scatter [tilespmem:s3], [sflag:$0x4], $0x5000, $0x38;
	v63 =	vld [tilespmem:$0x0]  }
0x30: {  	_ =	swait.ge [sflag:s17], $0x5000  }
0x31: {  	[sflag:s17] =	ssyncset.done $0x0  }
0x32: {  	[sflag:s17] =	ssyncadd.s32 $0xFFFFB000  }
0x33: {  	[spmem:s15] =	stream.linear.scatter [tilespmem:s3], [sflag:$0x4], $0x5000, $0x38;
	v63 =	vld [tilespmem:$0x0]  }
0x34: {  	_ =	swait.ge [sflag:s17], $0x5000  }
0x35: {  	[sflag:s17] =	ssyncset.done $0x0  }
0x36: {  	s7 =	rddreg [dreg:$0x5];
	[sflag:s17] =	ssyncadd.s32 $0xFFFFB000  }
0x37: {  	[spmem:s7] =	stream.linear.scatter [tilespmem:s3], [sflag:$0x4], $0x4800, $0x38;
	v63 =	vld [tilespmem:$0x0]  }
0x38: {  	_ =	swait.ge [sflag:s17], $0x4800  }
0x39: {  	[sflag:s17] =	ssyncset.done $0x0  }
0x3a: {  	s0 =	simm.s32 @!p0 $0x0;
	s2 =	rddreg [dreg:$0x6];
	[sflag:s17] =	ssyncadd.s32 $0xFFFFB800  }
0x3b: {  	[spmem:s2] =	stream.linear.scatter @!p0 [tilespmem:s0], [sflag:$0x4], $0x800, $0x38;
	v63 =	vld [tilespmem:$0x0]  }
0x3c: {  	s0 =	simm.s32 @!p0 $0x4  }
0x3d: {  	_ =	swait.ge @!p0 [sflag:s0], $0x800  }
0x3e: {  	[sflag:s0] =	ssyncset.done @!p0 $0x0  }
0x3f: {  	[sflag:s0] =	ssyncadd.s32 @!p0 $0xFFFFF800  }
0x40: {  	[bflag:$0x0] =	sbarrier.arrive $0xFFFF  }
0x41: {  	s16 =	simm.s32 $0x0;
	s6 =	simm.s32 $0xA000;
	s7 =	rddreg [dreg:$0x7]  }
0x42: {  	[tilespmem:s6], [sflag:$0x4] =	stream.linear.gather [hbm4b:s7+s16], $0x2710, $0x38;
	v63 =	vld [tilespmem:$0x0]  }
0x43: {  	_ =	swait.ge [sflag:s17], $0x2710  }
0x44: {  	[sflag:s17] =	ssyncset.done $0x0  }
0x45: {  	[sflag:s17] =	ssyncadd.s32 $0xFFFFD8F0  }
0x46: {  	[tilespmem:s16], [sflag:$0x1] =	stream.linear.gather [hbm4b:s8+s16], $0x5000, $0x38;
	v63 =	vld [tilespmem:$0x0]  }
0x47: {  	_ = 	snop  }
0x48: {  	[tilespmem:s19], [sflag:$0x2] =	stream.linear.gather [hbm4b:s9+s16], $0x5000, $0x38;
	v63 =	vld [tilespmem:$0x0]  }
0x49: {  	_ =	swait.ge [sflag:s20], $0x5000  }
0x4a: {  	[sflag:s20] =	ssyncset.done $0x0  }
0x4b: {  	s16 =	simm.s32 $0xA000;
	[sflag:s20] =	ssyncadd.s32 $0xFFFFB000  }
0x4c: {  	[spmem:s1] =	stream.indirect.scatter.add.f32 [tilespmem:s3], [sflag:$0x3], $0x80, s16, s21, $0xb8;
	v63 =	vld [tilespmem:$0x0]  }
0x4d: {  	s2 =	simm.s32 $0xA028  }
0x4e: {  	[spmem:s1] =	stream.indirect.scatter.add.f32 [tilespmem:s22], [sflag:$0x3], $0x80, s2, s21, $0xb8;
	v63 =	vld [tilespmem:$0x0]  }
0x4f: {  	s6 =	simm.s32 $0xA050  }
0x50: {  	[spmem:s1] =	stream.indirect.scatter.add.f32 [tilespmem:s23], [sflag:$0x3], $0x80, s6, s21, $0xb8;
	v63 =	vld [tilespmem:$0x0]  }
0x51: {  	s7 =	simm.s32 $0xA078  }
0x52: {  	[spmem:s1] =	stream.indirect.scatter.add.f32 [tilespmem:s24], [sflag:$0x3], $0x80, s7, s21, $0xb8;
	v63 =	vld [tilespmem:$0x0]  }
0x53: {  	_ =	swait.ge [sflag:s26], $0x1400  }
0x54: {  	[sflag:s26] =	ssyncset.done $0x0  }
0x55: {  	[sflag:s26] =	ssyncadd.s32 $0xFFFFEC00  }
0x56: {  	_ =	swait.ge [sflag:s26], $0x1400  }
0x57: {  	[sflag:s26] =	ssyncset.done $0x0  }
0x58: {  	[sflag:s26] =	ssyncadd.s32 $0xFFFFEC00  }
0x59: {  	_ =	swait.ge [sflag:s26], $0x1400  }
0x5a: {  	[sflag:s26] =	ssyncset.done $0x0  }
0x5b: {  	[sflag:s26] =	ssyncadd.s32 $0xFFFFEC00  }
0x5c: {  	_ =	swait.ge [sflag:s26], $0x1400  }
0x5d: {  	[sflag:s26] =	ssyncset.done $0x0  }
0x5e: {  	s16 =	sadd.s32 $0xFFFFF600, s5;
	[sflag:s26] =	ssyncadd.s32 $0xFFFFEC00  }
0x5f: {  	[tilespmem:s3], [sflag:$0x1] =	stream.linear.gather [hbm4b:s16+s3], $0x5000, $0x38;
	v63 =	vld [tilespmem:$0x0]  }
0x60: {  	_ =	swait.ge [sflag:s28], $0x5000  }
0x61: {  	[sflag:s28] =	ssyncset.done $0x0  }
0x62: {  	s2 =	simm.s32 $0xA0A0;
	[sflag:s28] =	ssyncadd.s32 $0xFFFFB000  }
0x63: {  	[spmem:s1] =	stream.indirect.scatter.add.f32 [tilespmem:s19], [sflag:$0x3], $0x80, s2, s21, $0xb8;
	v63 =	vld [tilespmem:$0x0]  }
0x64: {  	s6 =	simm.s32 $0xA0C8  }
0x65: {  	[spmem:s1] =	stream.indirect.scatter.add.f32 [tilespmem:s29], [sflag:$0x3], $0x80, s6, s21, $0xb8;
	v63 =	vld [tilespmem:$0x0]  }
0x66: {  	s7 =	simm.s32 $0xA0F0  }
0x67: {  	[spmem:s1] =	stream.indirect.scatter.add.f32 [tilespmem:s30], [sflag:$0x3], $0x80, s7, s21, $0xb8;
	v63 =	vld [tilespmem:$0x0]  }
0x68: {  	s16 =	simm.s32 $0xA118  }
0x69: {  	[spmem:s1] =	stream.indirect.scatter.add.f32 [tilespmem:s31], [sflag:$0x3], $0x80, s16, s21, $0xb8;
	v63 =	vld [tilespmem:$0x0]  }
0x6a: {  	_ =	swait.ge [sflag:s26], $0x1400  }
0x6b: {  	[sflag:s26] =	ssyncset.done $0x0  }
0x6c: {  	[sflag:s26] =	ssyncadd.s32 $0xFFFFEC00  }
0x6d: {  	_ =	swait.ge [sflag:s26], $0x1400  }
0x6e: {  	[sflag:s26] =	ssyncset.done $0x0  }
0x6f: {  	[sflag:s26] =	ssyncadd.s32 $0xFFFFEC00  }
0x70: {  	_ =	swait.ge [sflag:s26], $0x1400  }
0x71: {  	[sflag:s26] =	ssyncset.done $0x0  }
0x72: {  	[sflag:s26] =	ssyncadd.s32 $0xFFFFEC00  }
0x73: {  	_ =	swait.ge [sflag:s26], $0x1400  }
0x74: {  	s0 =	simm.s32 $0x500;
	[sflag:s26] =	ssyncset.done $0x0  }
0x75: {  	s2 =	sadd.s32 $0x1400, s5;
	s16 =	smov.u32 s5;
	[sflag:s26] =	ssyncadd.s32 $0xFFFFEC00  }
.LBB2_4:
0x76: {  	[tilespmem:s19], [sflag:$0x2] =	stream.linear.gather [hbm4b:s16+s3], $0x5000, $0x38;
	v63 =	vld [tilespmem:$0x0]  }
0x77: {  	s6 =	smov.u32 s0;
	s16 =	smov.u32 s2  }
0x78: {  	p2 =	sne.s32 s0, $0x9100;
	s0 =	sadd.s32 $0x500, s0;
	_ =	swait.ge [sflag:s20], $0x5000  }
0x79: {  	s6 =	sshra.s32 s6, $0x2;
	[sflag:s20] =	ssyncset.done $0x0  }
0x7a: {  	s7 =	sadd.s32 $0xA000, s6;
	[sflag:s20] =	ssyncadd.s32 $0xFFFFB000  }
0x7b: {  	[spmem:s1] =	stream.indirect.scatter.add.f32 [tilespmem:s3], [sflag:$0x3], $0x80, s7, s21, $0xb8;
	v63 =	vld [tilespmem:$0x0]  }
0x7c: {  	s7 =	sadd.s32 $0xA028, s6  }
0x7d: {  	[spmem:s1] =	stream.indirect.scatter.add.f32 [tilespmem:s22], [sflag:$0x3], $0x80, s7, s21, $0xb8;
	v63 =	vld [tilespmem:$0x0]  }
0x7e: {  	s7 =	sadd.s32 $0xA050, s6  }
0x7f: {  	[spmem:s1] =	stream.indirect.scatter.add.f32 [tilespmem:s23], [sflag:$0x3], $0x80, s7, s21, $0xb8;
	v63 =	vld [tilespmem:$0x0]  }
0x80: {  	s7 =	sadd.s32 $0xA078, s6  }
0x81: {  	[spmem:s1] =	stream.indirect.scatter.add.f32 [tilespmem:s24], [sflag:$0x3], $0x80, s7, s21, $0xb8;
	v63 =	vld [tilespmem:$0x0]  }
0x82: {  	_ =	swait.ge [sflag:s26], $0x1400  }
0x83: {  	[sflag:s26] =	ssyncset.done $0x0  }
0x84: {  	[sflag:s26] =	ssyncadd.s32 $0xFFFFEC00  }
0x85: {  	_ =	swait.ge [sflag:s26], $0x1400  }
0x86: {  	[sflag:s26] =	ssyncset.done $0x0  }
0x87: {  	[sflag:s26] =	ssyncadd.s32 $0xFFFFEC00  }
0x88: {  	_ =	swait.ge [sflag:s26], $0x1400  }
0x89: {  	[sflag:s26] =	ssyncset.done $0x0  }
0x8a: {  	[sflag:s26] =	ssyncadd.s32 $0xFFFFEC00  }
0x8b: {  	_ =	swait.ge [sflag:s26], $0x1400  }
0x8c: {  	[sflag:s26] =	ssyncset.done $0x0  }
0x8d: {  	s7 =	sadd.s32 $0xFFFFF600, s2;
	[sflag:s26] =	ssyncadd.s32 $0xFFFFEC00  }
0x8e: {  	[tilespmem:s3], [sflag:$0x1] =	stream.linear.gather [hbm4b:s7+s3], $0x5000, $0x38;
	v63 =	vld [tilespmem:$0x0]  }
0x8f: {  	_ =	swait.ge [sflag:s28], $0x5000  }
0x90: {  	[sflag:s28] =	ssyncset.done $0x0  }
0x91: {  	s7 =	sadd.s32 $0xA0A0, s6;
	[sflag:s28] =	ssyncadd.s32 $0xFFFFB000  }
0x92: {  	[spmem:s1] =	stream.indirect.scatter.add.f32 [tilespmem:s19], [sflag:$0x3], $0x80, s7, s21, $0xb8;
	v63 =	vld [tilespmem:$0x0]  }
0x93: {  	s7 =	sadd.s32 $0xA0C8, s6  }
0x94: {  	[spmem:s1] =	stream.indirect.scatter.add.f32 [tilespmem:s29], [sflag:$0x3], $0x80, s7, s21, $0xb8;
	v63 =	vld [tilespmem:$0x0]  }
0x95: {  	s7 =	sadd.s32 $0xA0F0, s6  }
0x96: {  	[spmem:s1] =	stream.indirect.scatter.add.f32 [tilespmem:s30], [sflag:$0x3], $0x80, s7, s21, $0xb8;
	v63 =	vld [tilespmem:$0x0]  }
0x97: {  	s6 =	sadd.s32 $0xA118, s6  }
0x98: {  	[spmem:s1] =	stream.indirect.scatter.add.f32 [tilespmem:s31], [sflag:$0x3], $0x80, s6, s21, $0xb8;
	v63 =	vld [tilespmem:$0x0]  }
0x99: {  	_ =	swait.ge [sflag:s26], $0x1400  }
0x9a: {  	[sflag:s26] =	ssyncset.done $0x0  }
0x9b: {  	[sflag:s26] =	ssyncadd.s32 $0xFFFFEC00  }
0x9c: {  	_ =	swait.ge [sflag:s26], $0x1400  }
0x9d: {  	[sflag:s26] =	ssyncset.done $0x0  }
0x9e: {  	[sflag:s26] =	ssyncadd.s32 $0xFFFFEC00  }
0x9f: {  	_ =	swait.ge [sflag:s26], $0x1400  }
.Ltmp1:
0xa0: {  	[sflag:s26] =	ssyncset.done $0x0;
	(pc) =	sbr.rel @p2 .LBB2_4-.Ltmp1, $4  }
0xa1: {  	[sflag:s26] =	ssyncadd.s32 $0xFFFFEC00  }
0xa2: {  	_ =	swait.ge [sflag:s26], $0x1400  }
0xa3: {  	[sflag:s26] =	ssyncset.done $0x0  }
0xa4: {  	s2 =	sadd.s32 $0x1400, s2;
	[sflag:s26] =	ssyncadd.s32 $0xFFFFEC00  }
0xa5: {  	[tilespmem:s19], [sflag:$0x2] =	stream.linear.gather [hbm4b:s16+s3], $0x5000, $0x38;
	v63 =	vld [tilespmem:$0x0]  }
0xa6: {  	_ =	swait.ge [sflag:s20], $0x5000  }
0xa7: {  	[sflag:s20] =	ssyncset.done $0x0  }
0xa8: {  	s0 =	simm.s32 $0xC580;
	[sflag:s20] =	ssyncadd.s32 $0xFFFFB000  }
0xa9: {  	[spmem:s1] =	stream.indirect.scatter.add.f32 [tilespmem:s3], [sflag:$0x3], $0x80, s0, s21, $0xb8;
	v63 =	vld [tilespmem:$0x0]  }
0xaa: {  	s16 =	simm.s32 $0xC5A8  }
0xab: {  	[spmem:s1] =	stream.indirect.scatter.add.f32 [tilespmem:s22], [sflag:$0x3], $0x80, s16, s21, $0xb8;
	v63 =	vld [tilespmem:$0x0]  }
0xac: {  	s2 =	simm.s32 $0xC5D0  }
0xad: {  	[spmem:s1] =	stream.indirect.scatter.add.f32 [tilespmem:s23], [sflag:$0x3], $0x80, s2, s21, $0xb8;
	v63 =	vld [tilespmem:$0x0]  }
0xae: {  	s6 =	simm.s32 $0xC5F8  }
0xaf: {  	[spmem:s1] =	stream.indirect.scatter.add.f32 [tilespmem:s24], [sflag:$0x3], $0x80, s6, s21, $0xb8;
	v63 =	vld [tilespmem:$0x0]  }
0xb0: {  	_ =	swait.ge [sflag:s26], $0x1400  }
0xb1: {  	[sflag:s26] =	ssyncset.done $0x0  }
0xb2: {  	[sflag:s26] =	ssyncadd.s32 $0xFFFFEC00  }
0xb3: {  	_ =	swait.ge [sflag:s26], $0x1400  }
0xb4: {  	[sflag:s26] =	ssyncset.done $0x0  }
0xb5: {  	[sflag:s26] =	ssyncadd.s32 $0xFFFFEC00  }
0xb6: {  	_ =	swait.ge [sflag:s26], $0x1400  }
0xb7: {  	[sflag:s26] =	ssyncset.done $0x0  }
0xb8: {  	[sflag:s26] =	ssyncadd.s32 $0xFFFFEC00  }
0xb9: {  	_ =	swait.ge [sflag:s26], $0x1400  }
0xba: {  	[sflag:s26] =	ssyncset.done $0x0  }
0xbb: {  	[sflag:s26] =	ssyncadd.s32 $0xFFFFEC00  }
0xbc: {  	_ =	swait.ge [sflag:s28], $0x5000  }
0xbd: {  	[sflag:s28] =	ssyncset.done $0x0  }
0xbe: {  	s7 =	simm.s32 $0xC620;
	[sflag:s28] =	ssyncadd.s32 $0xFFFFB000  }
0xbf: {  	[spmem:s1] =	stream.indirect.scatter.add.f32 [tilespmem:s19], [sflag:$0x3], $0x80, s7, s21, $0xb8;
	v63 =	vld [tilespmem:$0x0]  }
0xc0: {  	s16 =	simm.s32 $0xC648  }
0xc1: {  	[spmem:s1] =	stream.indirect.scatter.add.f32 [tilespmem:s29], [sflag:$0x3], $0x80, s16, s21, $0xb8;
	v63 =	vld [tilespmem:$0x0]  }
0xc2: {  	s2 =	simm.s32 $0xC670  }
0xc3: {  	[spmem:s1] =	stream.indirect.scatter.add.f32 [tilespmem:s30], [sflag:$0x3], $0x80, s2, s21, $0xb8;
	v63 =	vld [tilespmem:$0x0]  }
0xc4: {  	s6 =	simm.s32 $0xC698  }
0xc5: {  	[spmem:s1] =	stream.indirect.scatter.add.f32 [tilespmem:s31], [sflag:$0x3], $0x80, s6, s21, $0xb8;
	v63 =	vld [tilespmem:$0x0]  }
0xc6: {  	_ =	swait.ge [sflag:s26], $0x1400  }
0xc7: {  	[sflag:s26] =	ssyncset.done $0x0  }
0xc8: {  	[sflag:s26] =	ssyncadd.s32 $0xFFFFEC00  }
0xc9: {  	_ =	swait.ge [sflag:s26], $0x1400  }
0xca: {  	[sflag:s26] =	ssyncset.done $0x0  }
0xcb: {  	[sflag:s26] =	ssyncadd.s32 $0xFFFFEC00  }
0xcc: {  	_ =	swait.ge [sflag:s26], $0x1400  }
0xcd: {  	[sflag:s26] =	ssyncset.done $0x0  }
0xce: {  	[sflag:s26] =	ssyncadd.s32 $0xFFFFEC00  }
0xcf: {  	_ =	swait.ge [sflag:s26], $0x1400  }
0xd0: {  	[sflag:s26] =	ssyncset.done $0x0  }
0xd1: {  	[sflag:s26] =	ssyncadd.s32 $0xFFFFEC00  }
0xd2: {  	[tilespmem:s3], [sflag:$0x1] =	stream.linear.gather [hbm4b:s10+s3], $0x2800, $0x38;
	v63 =	vld [tilespmem:$0x0]  }
0xd3: {  	_ =	swait.ge [sflag:s20], $0x2800  }
0xd4: {  	[sflag:s20] =	ssyncset.done $0x0  }
0xd5: {  	s7 =	simm.s32 $0xC6C0;
	[sflag:s20] =	ssyncadd.s32 $0xFFFFD800  }
0xd6: {  	[spmem:s1] =	stream.indirect.scatter.add.f32 [tilespmem:s3], [sflag:$0x3], $0x80, s7, s21, $0xb8;
	v63 =	vld [tilespmem:$0x0]  }
0xd7: {  	s16 =	simm.s32 $0xC6E8  }
0xd8: {  	[spmem:s1] =	stream.indirect.scatter.add.f32 [tilespmem:s22], [sflag:$0x3], $0x80, s16, s21, $0xb8;
	v63 =	vld [tilespmem:$0x0]  }
0xd9: {  	_ =	swait.ge [sflag:s26], $0x1400  }
0xda: {  	[sflag:s26] =	ssyncset.done $0x0  }
0xdb: {  	[sflag:s26] =	ssyncadd.s32 $0xFFFFEC00  }
0xdc: {  	_ =	swait.ge [sflag:s26], $0x1400  }
0xdd: {  	[sflag:s26] =	ssyncset.done $0x0  }
0xde: {  	[sflag:s26] =	ssyncadd.s32 $0xFFFFEC00  }
0xdf: {  	s0 =	simm.s32 @p1 $0x1FC4;
	[bflag:$0x0] =	sbarrier.arrive $0xFFFF  }
0xe0: {  	[hbm:s12], [sflag:s0] =	dma.local @p1 [spmem:s25], $0x2800  }
0xe1: {  	s0 =	simm.s32 @p1 $0x4  }
0xe2: {  	s18 =	sadd.s32 $0x1, s18;
	s2 =	stileid.u32;
	_ =	swait.ge @p1 [sflag:s0], $0x2800  }
0xe3: {  	p2 =	sne.s32 s18, s13;
	s2 =	sshll.u32 @!p1 s2, $0x6;
	[sflag:s0] =	ssyncset.done @p1 $0x0  }
0xe4: {  	[sflag:s0] =	ssyncadd.s32 @p1 $0xFFFFD800;
	s0 =	sor.u32 @!p1 $0x1C04, s2;
	s2 =	sshrl.u32 @!p1 s4, $0x3  }
0xe5: {  	[hbm:s11], [sflag:s0] =	dma.local @!p1 [spmem:s2], $0x2700  }
.Ltmp2:
0xe6: {  	_ = 	snop;
	(pc) =	sbr.rel @p2 .LBB2_1-.Ltmp2, $4  }
0xe7: {  	s0 =	simm.s32 @!p1 $0x4  }
0xe8: {  	_ =	swait.ge @!p1 [sflag:s0], $0x2700  }
0xe9: {  	[sflag:s0] =	ssyncset.done @!p1 $0x0  }
0xea: {  	[sflag:s0] =	ssyncadd.s32 @!p1 $0xFFFFD900  }
0xeb: {  	_ =	sfence.sel $0x180000  }
0xec: {  	[bflag:$0x0] =	sbarrier.arrive $0xFFFF  }
0xed: {  	_ =	strace $0x90000047  }
0xee: {  	s0 =	stileid.u32;
	[bflag:$0x2] =	sbarrier.arrive $0xFFFF  }
0xef: {  	p0 =	sne.s32 s0, $0x0;
	s0 =	rddreg [dreg:$0x4]  }
0xf0: {  	s0 =	sadd.s32 @!p0 $0x100000, s0  }
0xf1: {  	[sflag:s0] =	ssyncadd.tile.s32 @!p0 $0x1;
	_ =	shalt  }
.Lfunc_end2:
_tile_overlayer_lowered:
.L_overlay_start_2:
0xf2: {  	(tag) =	ssettag $0x2  }
0xf3: {  	s0 =	rddreg [dreg:$0x0];
	s2 =	stileid.u32  }
0xf4: {  	s1 =	rddreg [dreg:$0x1];
	p0 =	sne.s32 s2, $0x0  }
0xf5: {  	s3 =	rddreg [dreg:$0x2];
	[bflag:$0x3] =	sbarrier.arrive $0xFFFF;
	s2 =	simm.s32 @!p0 $0x1C04  }
0xf6: {  	[timem:s3], [sflag:s2] =	dma.local @!p0 [hbm:s0], s1  }
0xf7: {  	s0 =	simm.s32 @!p0 $0x4  }
0xf8: {  	_ =	swait.ge @!p0 [sflag:s0], s1  }
0xf9: {  	s1 =	ssub.s32 @!p0 $0x0, s1;
	[sflag:s0] =	ssyncset.done @!p0 $0x0  }
0xfa: {  	[sflag:s0] =	ssyncadd.s32 @!p0 s1  }
0xfb: {  	[bflag:$0x3] =	sbarrier.arrive $0xFFFF  }
0xfc: {  	_ =	shalt  }

</sc_bundles>
